<compile_context>
chip_gen: v7x
topology: tpu7x:2x2x1
jax: 0.10.2.dev20260603
libtpu: 0.0.44.dev20260713+nightly
codegen_flags: <defaults>
</compile_context>

<pallas_src>
import functools

import jax
import jax.numpy as jnp
from jax import lax
from jax.experimental import pallas as pl
from jax.experimental.pallas import tpu as pltpu
from jax.experimental.pallas import tpu_sc as plsc

_B = 8
_N = 2048
_T = _B * _N
_NW = 32
_TPW = _T // _NW
_W = _B * _N * _N
_NCH = _TPW // 128

_mesh = plsc.VectorSubcoreMesh(core_axis_name="c", subcore_axis_name="s")


def _stateful(refs):
    out_ref, het_ref, ns_ref = refs

    @pl.core_map(
        _mesh,
        scratch_shapes=[
            pltpu.VMEM((_NCH, 128), jnp.int32),
            pltpu.VMEM((_NCH, 128), jnp.float32),
            pltpu.VMEM((_TPW,), jnp.float32),
            pltpu.VMEM((16,), jnp.float32),
            pltpu.SemaphoreType.DMA,
        ],
    )
    def _body(idx_v, vals_v, het_v, ns_v, sem_g):
        wid = lax.axis_index("s") * 2 + lax.axis_index("c")
        base_t = wid * _TPW

        pltpu.sync_copy(het_ref.at[pl.ds(base_t, _TPW)], het_v)
        pltpu.sync_copy(ns_ref, ns_v)

        iota = lax.iota(jnp.int32, 16)
        for k in range(_TPW // 16):
            t = base_t + k * 16 + iota
            idx_v[k // 8, pl.ds((k % 8) * 16, 16)] = (
                t * _N + jnp.bitwise_and(t, _N - 1))

        gathers = [
            pltpu.async_copy(out_ref.at[idx_v.at[j]], vals_v.at[j], sem_g)
            for j in range(_NCH)
        ]
        for g in gathers:
            g.wait()

        ens = jnp.exp(ns_v[...])
        for k in range(_TPW // 16):
            j, o = k // 8, (k % 8) * 16
            het16 = het_v[pl.ds(k * 16, 16)]
            vals_v[j, pl.ds(o, 16)] = (
                vals_v[j, pl.ds(o, 16)] + jnp.exp(het16) + ens)

        scatters = [
            pltpu.async_copy(vals_v.at[j], out_ref.at[idx_v.at[j]], sem_g)
            for j in range(_NCH)
        ]
        for s in scatters:
            s.wait()


def kernel(cov, embeddings, noise_scale):
    het = embeddings[:, :, -1].reshape(_T)
    ns16 = jnp.broadcast_to(noise_scale, (16,))
    out, _, _ = pl.run_state(_stateful)((cov.reshape(_W), het, ns16))
    return out.reshape(_B, _N, _N)

# --- scband reference (transcript-rebuilt; emitter-appended) ---
"""Pipeline reference for scband-add-hetero-noise-15942918602944 (READ-ONLY COPY).

The authoritative reference and input builder live on the scoring server;
editing this copy changes nothing except your own understanding.
"""

import jax, jax.numpy as jnp
import numpy as np


def setup_inputs(seed: int = 0) -> dict:
    key = jax.random.key(seed)
    k1, k2 = jax.random.split(key)
    cov = jax.random.normal(k1, (8, 2048, 2048), dtype=jnp.float32)
    embeddings = jax.random.normal(k2, (8, 2048, 64), dtype=jnp.float32)
    # learned parameter: noise_scale = log(1.0) * ones(1) = zeros(1)
    noise_scale = jnp.zeros((1,), dtype=jnp.float32)
    return {"cov": cov, "embeddings": embeddings, "noise_scale": noise_scale}


def reference(cov, embeddings, noise_scale):
    extra_noise_dim = 1
    # hetero noise variance from last embedding channel(s)
    hetero_noise_var = jnp.exp(embeddings[:, :, -extra_noise_dim:])
    idx = jnp.arange(cov.shape[-1])
    # scatter-add hetero noise onto the diagonal of each covariance matrix
    cov_plus_noise = cov.at[:, idx, idx].add(hetero_noise_var[:, :, 0])
    # add homoscedastic noise exp(noise_scale) * I
    noise_var = jnp.eye(cov.shape[1], dtype=cov.dtype)[None, ...]
    cov_plus_noise = cov_plus_noise + jnp.exp(noise_scale) * noise_var
    return cov_plus_noise

if __name__ == "__main__":
    import jax
    _d = setup_inputs()
    print(jax.jit(kernel)(*tuple(_d.values())))

</pallas_src>

<mosaic_0001>
#map = affine_map<(d0, d1) -> (0)>
module attributes {stable_mosaic.version = 14 : i64} {
  func.func @_body(%arg0: i32, %arg1: i32, %arg2: memref<16384xf32, #tpu.memory_space<hbm>>, %arg3: memref<16xf32, #tpu.memory_space<hbm>>, %arg4: memref<33554432xf32, #tpu.memory_space<hbm>>, %arg5: memref<33554432xf32, #tpu.memory_space<hbm>>, %arg6: memref<4x128xi32, #tpu.memory_space<vmem>>, %arg7: memref<4x128xf32, #tpu.memory_space<vmem>>, %arg8: memref<512xf32, #tpu.memory_space<vmem>>, %arg9: memref<16xf32, #tpu.memory_space<vmem>>, %arg10: memref<!tpu.dma_semaphore, #tpu.memory_space<semaphore_mem>>) attributes {dimension_semantics = [#tpu.dimension_semantics<core_parallel>, #tpu.dimension_semantics<subcore_parallel>], iteration_bounds = array<i64: 2, 16>, scalar_prefetch = 0 : i64, scratch_operands = 5 : i64, tpu.core_type = #tpu.core_type<sc_vector_subcore>, window_params = [{transform_indices = #map}, {transform_indices = #map}, {transform_indices = #map}, {transform_indices = #map}]} {
    %mul3A = arith.constant 2 : i32
    %mul3A_0 = arith.muli %arg1, %mul3A : i32
    %add3A = arith.addi %mul3A_0, %arg0 : i32
    %mul3A_1 = arith.constant 512 : i32
    %mul3A_2 = arith.muli %add3A, %mul3A_1 : i32
    "tpu.region"() ({
      %run_scoped3A = tpu.sem_alloc : memref<!tpu.dma_semaphore, #tpu.memory_space<semaphore_mem>>
      %dma_start3A_1249 = tpu.memref_slice %arg2[%mul3A_2] : memref<16384xf32, #tpu.memory_space<hbm>> -> memref<512xf32, #tpu.memory_space<hbm>>
      %dma_start3A_1250 = tpu.memref_slice %arg2[%mul3A_2] : memref<16384xf32, #tpu.memory_space<hbm>> -> memref<512xf32, #tpu.memory_space<hbm>>
      tpu.enqueue_dma source(%dma_start3A_1250 : memref<512xf32, #tpu.memory_space<hbm>>) target(%arg8 : memref<512xf32, #tpu.memory_space<vmem>>) target_semaphore(%run_scoped3A : memref<!tpu.dma_semaphore, #tpu.memory_space<semaphore_mem>>)
      %dma_wait3A_1251 = tpu.memref_slice %arg2[%mul3A_2] : memref<16384xf32, #tpu.memory_space<hbm>> -> memref<512xf32, #tpu.memory_space<hbm>>
      %dma_wait3A_1252 = tpu.memref_slice %arg2[%mul3A_2] : memref<16384xf32, #tpu.memory_space<hbm>> -> memref<512xf32, #tpu.memory_space<hbm>>
      tpu.wait_dma2 semaphore(%run_scoped3A : memref<!tpu.dma_semaphore, #tpu.memory_space<semaphore_mem>>) src(%dma_wait3A_1252 : memref<512xf32, #tpu.memory_space<hbm>>) dst(%arg8 : memref<512xf32, #tpu.memory_space<vmem>>)
      tpu.yield
    }) : () -> ()
    "tpu.region"() ({
      %run_scoped3A = tpu.sem_alloc : memref<!tpu.dma_semaphore, #tpu.memory_space<semaphore_mem>>
      tpu.enqueue_dma source(%arg3 : memref<16xf32, #tpu.memory_space<hbm>>) target(%arg9 : memref<16xf32, #tpu.memory_space<vmem>>) target_semaphore(%run_scoped3A : memref<!tpu.dma_semaphore, #tpu.memory_space<semaphore_mem>>)
      tpu.wait_dma2 semaphore(%run_scoped3A : memref<!tpu.dma_semaphore, #tpu.memory_space<semaphore_mem>>) src(%arg3 : memref<16xf32, #tpu.memory_space<hbm>>) dst(%arg9 : memref<16xf32, #tpu.memory_space<vmem>>)
      tpu.yield
    }) : () -> ()
    %iota3A = tpu.iota {dimensions = array<i32: 0>} : vector<16xi32>
    %add3A_3 = arith.constant 0 : i32
    %add3A_4 = arith.addi %mul3A_2, %add3A_3 : i32
    %add3A_5 = vector.broadcast %add3A_4 : i32 to vector<16xi32>
    %add3A_6 = arith.addi %add3A_5, %iota3A : vector<16xi32>
    %mul3A_7 = arith.constant 2048 : i32
    %mul3A_8 = vector.broadcast %mul3A_7 : i32 to vector<16xi32>
    %mul3A_9 = arith.muli %add3A_6, %mul3A_8 : vector<16xi32>
    %and3A = arith.constant 2047 : i32
    %and3A_10 = vector.broadcast %and3A : i32 to vector<16xi32>
    %and3A_11 = arith.andi %add3A_6, %and3A_10 : vector<16xi32>
    %add3A_12 = arith.addi %mul3A_9, %and3A_11 : vector<16xi32>
    %swap3A = arith.constant 0 : i32
    %swap3A_13 = arith.index_cast %swap3A : i32 to index
    %swap3A_14 = arith.constant 0 : index
    %swap3A_15 = tpu.vector_load %arg6[%swap3A_13, %swap3A_14] {strides = array<i32>} : memref<4x128xi32, #tpu.memory_space<vmem>>, vector<1x16xi32>,
    %swap3A_16 = vector.shape_cast %swap3A_15 : vector<1x16xi32> to vector<16xi32>
    %swap3A_17 = vector.shape_cast %add3A_12 : vector<16xi32> to vector<1x16xi32>
    tpu.vector_store %arg6[%swap3A_13, %swap3A_14], %swap3A_17 {strides = array<i32>} : memref<4x128xi32, #tpu.memory_space<vmem>>, vector<1x16xi32>,
    %add3A_18 = arith.constant 16 : i32
    %add3A_19 = arith.addi %mul3A_2, %add3A_18 : i32
    %add3A_20 = vector.broadcast %add3A_19 : i32 to vector<16xi32>
    %add3A_21 = arith.addi %add3A_20, %iota3A : vector<16xi32>
    %mul3A_22 = arith.constant 2048 : i32
    %mul3A_23 = vector.broadcast %mul3A_22 : i32 to vector<16xi32>
    %mul3A_24 = arith.muli %add3A_21, %mul3A_23 : vector<16xi32>
    %and3A_25 = arith.constant 2047 : i32
    %and3A_26 = vector.broadcast %and3A_25 : i32 to vector<16xi32>
    %and3A_27 = arith.andi %add3A_21, %and3A_26 : vector<16xi32>
    %add3A_28 = arith.addi %mul3A_24, %and3A_27 : vector<16xi32>
    %swap3A_29 = arith.constant 0 : i32
    %swap3A_30 = arith.index_cast %swap3A_29 : i32 to index
    %swap3A_31 = arith.constant 16 : index
    %swap3A_32 = tpu.vector_load %arg6[%swap3A_30, %swap3A_31] {strides = array<i32>} : memref<4x128xi32, #tpu.memory_space<vmem>>, vector<1x16xi32>,
    %swap3A_33 = vector.shape_cast %swap3A_32 : vector<1x16xi32> to vector<16xi32>
    %swap3A_34 = vector.shape_cast %add3A_28 : vector<16xi32> to vector<1x16xi32>
    tpu.vector_store %arg6[%swap3A_30, %swap3A_31], %swap3A_34 {strides = array<i32>} : memref<4x128xi32, #tpu.memory_space<vmem>>, vector<1x16xi32>,
    %add3A_35 = arith.constant 32 : i32
    %add3A_36 = arith.addi %mul3A_2, %add3A_35 : i32
    %add3A_37 = vector.broadcast %add3A_36 : i32 to vector<16xi32>
    %add3A_38 = arith.addi %add3A_37, %iota3A : vector<16xi32>
    %mul3A_39 = arith.constant 2048 : i32
    %mul3A_40 = vector.broadcast %mul3A_39 : i32 to vector<16xi32>
    %mul3A_41 = arith.muli %add3A_38, %mul3A_40 : vector<16xi32>
    %and3A_42 = arith.constant 2047 : i32
    %and3A_43 = vector.broadcast %and3A_42 : i32 to vector<16xi32>
    %and3A_44 = arith.andi %add3A_38, %and3A_43 : vector<16xi32>
    %add3A_45 = arith.addi %mul3A_41, %and3A_44 : vector<16xi32>
    %swap3A_46 = arith.constant 0 : i32
    %swap3A_47 = arith.index_cast %swap3A_46 : i32 to index
    %swap3A_48 = arith.constant 32 : index
    %swap3A_49 = tpu.vector_load %arg6[%swap3A_47, %swap3A_48] {strides = array<i32>} : memref<4x128xi32, #tpu.memory_space<vmem>>, vector<1x16xi32>,
    %swap3A_50 = vector.shape_cast %swap3A_49 : vector<1x16xi32> to vector<16xi32>
    %swap3A_51 = vector.shape_cast %add3A_45 : vector<16xi32> to vector<1x16xi32>
    tpu.vector_store %arg6[%swap3A_47, %swap3A_48], %swap3A_51 {strides = array<i32>} : memref<4x128xi32, #tpu.memory_space<vmem>>, vector<1x16xi32>,
    %add3A_52 = arith.constant 48 : i32
    %add3A_53 = arith.addi %mul3A_2, %add3A_52 : i32
    %add3A_54 = vector.broadcast %add3A_53 : i32 to vector<16xi32>
    %add3A_55 = arith.addi %add3A_54, %iota3A : vector<16xi32>
    %mul3A_56 = arith.constant 2048 : i32
    %mul3A_57 = vector.broadcast %mul3A_56 : i32 to vector<16xi32>
    %mul3A_58 = arith.muli %add3A_55, %mul3A_57 : vector<16xi32>
    %and3A_59 = arith.constant 2047 : i32
    %and3A_60 = vector.broadcast %and3A_59 : i32 to vector<16xi32>
    %and3A_61 = arith.andi %add3A_55, %and3A_60 : vector<16xi32>
    %add3A_62 = arith.addi %mul3A_58, %and3A_61 : vector<16xi32>
    %swap3A_63 = arith.constant 0 : i32
    %swap3A_64 = arith.index_cast %swap3A_63 : i32 to index
    %swap3A_65 = arith.constant 48 : index
    %swap3A_66 = tpu.vector_load %arg6[%swap3A_64, %swap3A_65] {strides = array<i32>} : memref<4x128xi32, #tpu.memory_space<vmem>>, vector<1x16xi32>,
    %swap3A_67 = vector.shape_cast %swap3A_66 : vector<1x16xi32> to vector<16xi32>
    %swap3A_68 = vector.shape_cast %add3A_62 : vector<16xi32> to vector<1x16xi32>
    tpu.vector_store %arg6[%swap3A_64, %swap3A_65], %swap3A_68 {strides = array<i32>} : memref<4x128xi32, #tpu.memory_space<vmem>>, vector<1x16xi32>,
    %add3A_69 = arith.constant 64 : i32
    %add3A_70 = arith.addi %mul3A_2, %add3A_69 : i32
    %add3A_71 = vector.broadcast %add3A_70 : i32 to vector<16xi32>
    %add3A_72 = arith.addi %add3A_71, %iota3A : vector<16xi32>
    %mul3A_73 = arith.constant 2048 : i32
    %mul3A_74 = vector.broadcast %mul3A_73 : i32 to vector<16xi32>
    %mul3A_75 = arith.muli %add3A_72, %mul3A_74 : vector<16xi32>
    %and3A_76 = arith.constant 2047 : i32
    %and3A_77 = vector.broadcast %and3A_76 : i32 to vector<16xi32>
    %and3A_78 = arith.andi %add3A_72, %and3A_77 : vector<16xi32>
    %add3A_79 = arith.addi %mul3A_75, %and3A_78 : vector<16xi32>
    %swap3A_80 = arith.constant 0 : i32
    %swap3A_81 = arith.index_cast %swap3A_80 : i32 to index
    %swap3A_82 = arith.constant 64 : index
    %swap3A_83 = tpu.vector_load %arg6[%swap3A_81, %swap3A_82] {strides = array<i32>} : memref<4x128xi32, #tpu.memory_space<vmem>>, vector<1x16xi32>,
    %swap3A_84 = vector.shape_cast %swap3A_83 : vector<1x16xi32> to vector<16xi32>
    %swap3A_85 = vector.shape_cast %add3A_79 : vector<16xi32> to vector<1x16xi32>
    tpu.vector_store %arg6[%swap3A_81, %swap3A_82], %swap3A_85 {strides = array<i32>} : memref<4x128xi32, #tpu.memory_space<vmem>>, vector<1x16xi32>,
    %add3A_86 = arith.constant 80 : i32
    %add3A_87 = arith.addi %mul3A_2, %add3A_86 : i32
    %add3A_88 = vector.broadcast %add3A_87 : i32 to vector<16xi32>
    %add3A_89 = arith.addi %add3A_88, %iota3A : vector<16xi32>
    %mul3A_90 = arith.constant 2048 : i32
    %mul3A_91 = vector.broadcast %mul3A_90 : i32 to vector<16xi32>
    %mul3A_92 = arith.muli %add3A_89, %mul3A_91 : vector<16xi32>
    %and3A_93 = arith.constant 2047 : i32
    %and3A_94 = vector.broadcast %and3A_93 : i32 to vector<16xi32>
    %and3A_95 = arith.andi %add3A_89, %and3A_94 : vector<16xi32>
    %add3A_96 = arith.addi %mul3A_92, %and3A_95 : vector<16xi32>
    %swap3A_97 = arith.constant 0 : i32
    %swap3A_98 = arith.index_cast %swap3A_97 : i32 to index
    %swap3A_99 = arith.constant 80 : index
    %swap3A_100 = tpu.vector_load %arg6[%swap3A_98, %swap3A_99] {strides = array<i32>} : memref<4x128xi32, #tpu.memory_space<vmem>>, vector<1x16xi32>,
    %swap3A_101 = vector.shape_cast %swap3A_100 : vector<1x16xi32> to vector<16xi32>
    %swap3A_102 = vector.shape_cast %add3A_96 : vector<16xi32> to vector<1x16xi32>
    tpu.vector_store %arg6[%swap3A_98, %swap3A_99], %swap3A_102 {strides = array<i32>} : memref<4x128xi32, #tpu.memory_space<vmem>>, vector<1x16xi32>,
    %add3A_103 = arith.constant 96 : i32
    %add3A_104 = arith.addi %mul3A_2, %add3A_103 : i32
    %add3A_105 = vector.broadcast %add3A_104 : i32 to vector<16xi32>
    %add3A_106 = arith.addi %add3A_105, %iota3A : vector<16xi32>
    %mul3A_107 = arith.constant 2048 : i32
    %mul3A_108 = vector.broadcast %mul3A_107 : i32 to vector<16xi32>
    %mul3A_109 = arith.muli %add3A_106, %mul3A_108 : vector<16xi32>
    %and3A_110 = arith.constant 2047 : i32
    %and3A_111 = vector.broadcast %and3A_110 : i32 to vector<16xi32>
    %and3A_112 = arith.andi %add3A_106, %and3A_111 : vector<16xi32>
    %add3A_113 = arith.addi %mul3A_109, %and3A_112 : vector<16xi32>
    %swap3A_114 = arith.constant 0 : i32
    %swap3A_115 = arith.index_cast %swap3A_114 : i32 to index
    %swap3A_116 = arith.constant 96 : index
    %swap3A_117 = tpu.vector_load %arg6[%swap3A_115, %swap3A_116] {strides = array<i32>} : memref<4x128xi32, #tpu.memory_space<vmem>>, vector<1x16xi32>,
    %swap3A_118 = vector.shape_cast %swap3A_117 : vector<1x16xi32> to vector<16xi32>
    %swap3A_119 = vector.shape_cast %add3A_113 : vector<16xi32> to vector<1x16xi32>
    tpu.vector_store %arg6[%swap3A_115, %swap3A_116], %swap3A_119 {strides = array<i32>} : memref<4x128xi32, #tpu.memory_space<vmem>>, vector<1x16xi32>,
    %add3A_120 = arith.constant 112 : i32
    %add3A_121 = arith.addi %mul3A_2, %add3A_120 : i32
    %add3A_122 = vector.broadcast %add3A_121 : i32 to vector<16xi32>
    %add3A_123 = arith.addi %add3A_122, %iota3A : vector<16xi32>
    %mul3A_124 = arith.constant 2048 : i32
    %mul3A_125 = vector.broadcast %mul3A_124 : i32 to vector<16xi32>
    %mul3A_126 = arith.muli %add3A_123, %mul3A_125 : vector<16xi32>
    %and3A_127 = arith.constant 2047 : i32
    %and3A_128 = vector.broadcast %and3A_127 : i32 to vector<16xi32>
    %and3A_129 = arith.andi %add3A_123, %and3A_128 : vector<16xi32>
    %add3A_130 = arith.addi %mul3A_126, %and3A_129 : vector<16xi32>
    %swap3A_131 = arith.constant 0 : i32
    %swap3A_132 = arith.index_cast %swap3A_131 : i32 to index
    %swap3A_133 = arith.constant 112 : index
    %swap3A_134 = tpu.vector_load %arg6[%swap3A_132, %swap3A_133] {strides = array<i32>} : memref<4x128xi32, #tpu.memory_space<vmem>>, vector<1x16xi32>,
    %swap3A_135 = vector.shape_cast %swap3A_134 : vector<1x16xi32> to vector<16xi32>
    %swap3A_136 = vector.shape_cast %add3A_130 : vector<16xi32> to vector<1x16xi32>
    tpu.vector_store %arg6[%swap3A_132, %swap3A_133], %swap3A_136 {strides = array<i32>} : memref<4x128xi32, #tpu.memory_space<vmem>>, vector<1x16xi32>,
    %add3A_137 = arith.constant 128 : i32
    %add3A_138 = arith.addi %mul3A_2, %add3A_137 : i32
    %add3A_139 = vector.broadcast %add3A_138 : i32 to vector<16xi32>
    %add3A_140 = arith.addi %add3A_139, %iota3A : vector<16xi32>
    %mul3A_141 = arith.constant 2048 : i32
    %mul3A_142 = vector.broadcast %mul3A_141 : i32 to vector<16xi32>
    %mul3A_143 = arith.muli %add3A_140, %mul3A_142 : vector<16xi32>
    %and3A_144 = arith.constant 2047 : i32
    %and3A_145 = vector.broadcast %and3A_144 : i32 to vector<16xi32>
    %and3A_146 = arith.andi %add3A_140, %and3A_145 : vector<16xi32>
    %add3A_147 = arith.addi %mul3A_143, %and3A_146 : vector<16xi32>
    %swap3A_148 = arith.constant 1 : i32
    %swap3A_149 = arith.index_cast %swap3A_148 : i32 to index
    %swap3A_150 = arith.constant 0 : index
    %swap3A_151 = tpu.vector_load %arg6[%swap3A_149, %swap3A_150] {strides = array<i32>} : memref<4x128xi32, #tpu.memory_space<vmem>>, vector<1x16xi32>,
    %swap3A_152 = vector.shape_cast %swap3A_151 : vector<1x16xi32> to vector<16xi32>
    %swap3A_153 = vector.shape_cast %add3A_147 : vector<16xi32> to vector<1x16xi32>
    tpu.vector_store %arg6[%swap3A_149, %swap3A_150], %swap3A_153 {strides = array<i32>} : memref<4x128xi32, #tpu.memory_space<vmem>>, vector<1x16xi32>,
    %add3A_154 = arith.constant 144 : i32
    %add3A_155 = arith.addi %mul3A_2, %add3A_154 : i32
    %add3A_156 = vector.broadcast %add3A_155 : i32 to vector<16xi32>
    %add3A_157 = arith.addi %add3A_156, %iota3A : vector<16xi32>
    %mul3A_158 = arith.constant 2048 : i32
    %mul3A_159 = vector.broadcast %mul3A_158 : i32 to vector<16xi32>
    %mul3A_160 = arith.muli %add3A_157, %mul3A_159 : vector<16xi32>
    %and3A_161 = arith.constant 2047 : i32
    %and3A_162 = vector.broadcast %and3A_161 : i32 to vector<16xi32>
    %and3A_163 = arith.andi %add3A_157, %and3A_162 : vector<16xi32>
    %add3A_164 = arith.addi %mul3A_160, %and3A_163 : vector<16xi32>
    %swap3A_165 = arith.constant 1 : i32
    %swap3A_166 = arith.index_cast %swap3A_165 : i32 to index
    %swap3A_167 = arith.constant 16 : index
    %swap3A_168 = tpu.vector_load %arg6[%swap3A_166, %swap3A_167] {strides = array<i32>} : memref<4x128xi32, #tpu.memory_space<vmem>>, vector<1x16xi32>,
    %swap3A_169 = vector.shape_cast %swap3A_168 : vector<1x16xi32> to vector<16xi32>
    %swap3A_170 = vector.shape_cast %add3A_164 : vector<16xi32> to vector<1x16xi32>
    tpu.vector_store %arg6[%swap3A_166, %swap3A_167], %swap3A_170 {strides = array<i32>} : memref<4x128xi32, #tpu.memory_space<vmem>>, vector<1x16xi32>,
    %add3A_171 = arith.constant 160 : i32
    %add3A_172 = arith.addi %mul3A_2, %add3A_171 : i32
    %add3A_173 = vector.broadcast %add3A_172 : i32 to vector<16xi32>
    %add3A_174 = arith.addi %add3A_173, %iota3A : vector<16xi32>
    %mul3A_175 = arith.constant 2048 : i32
    %mul3A_176 = vector.broadcast %mul3A_175 : i32 to vector<16xi32>
    %mul3A_177 = arith.muli %add3A_174, %mul3A_176 : vector<16xi32>
    %and3A_178 = arith.constant 2047 : i32
    %and3A_179 = vector.broadcast %and3A_178 : i32 to vector<16xi32>
    %and3A_180 = arith.andi %add3A_174, %and3A_179 : vector<16xi32>
    %add3A_181 = arith.addi %mul3A_177, %and3A_180 : vector<16xi32>
    %swap3A_182 = arith.constant 1 : i32
    %swap3A_183 = arith.index_cast %swap3A_182 : i32 to index
    %swap3A_184 = arith.constant 32 : index
    %swap3A_185 = tpu.vector_load %arg6[%swap3A_183, %swap3A_184] {strides = array<i32>} : memref<4x128xi32, #tpu.memory_space<vmem>>, vector<1x16xi32>,
    %swap3A_186 = vector.shape_cast %swap3A_185 : vector<1x16xi32> to vector<16xi32>
    %swap3A_187 = vector.shape_cast %add3A_181 : vector<16xi32> to vector<1x16xi32>
    tpu.vector_store %arg6[%swap3A_183, %swap3A_184], %swap3A_187 {strides = array<i32>} : memref<4x128xi32, #tpu.memory_space<vmem>>, vector<1x16xi32>,
    %add3A_188 = arith.constant 176 : i32
    %add3A_189 = arith.addi %mul3A_2, %add3A_188 : i32
    %add3A_190 = vector.broadcast %add3A_189 : i32 to vector<16xi32>
    %add3A_191 = arith.addi %add3A_190, %iota3A : vector<16xi32>
    %mul3A_192 = arith.constant 2048 : i32
    %mul3A_193 = vector.broadcast %mul3A_192 : i32 to vector<16xi32>
    %mul3A_194 = arith.muli %add3A_191, %mul3A_193 : vector<16xi32>
    %and3A_195 = arith.constant 2047 : i32
    %and3A_196 = vector.broadcast %and3A_195 : i32 to vector<16xi32>
    %and3A_197 = arith.andi %add3A_191, %and3A_196 : vector<16xi32>
    %add3A_198 = arith.addi %mul3A_194, %and3A_197 : vector<16xi32>
    %swap3A_199 = arith.constant 1 : i32
    %swap3A_200 = arith.index_cast %swap3A_199 : i32 to index
    %swap3A_201 = arith.constant 48 : index
    %swap3A_202 = tpu.vector_load %arg6[%swap3A_200, %swap3A_201] {strides = array<i32>} : memref<4x128xi32, #tpu.memory_space<vmem>>, vector<1x16xi32>,
    %swap3A_203 = vector.shape_cast %swap3A_202 : vector<1x16xi32> to vector<16xi32>
    %swap3A_204 = vector.shape_cast %add3A_198 : vector<16xi32> to vector<1x16xi32>
    tpu.vector_store %arg6[%swap3A_200, %swap3A_201], %swap3A_204 {strides = array<i32>} : memref<4x128xi32, #tpu.memory_space<vmem>>, vector<1x16xi32>,
    %add3A_205 = arith.constant 192 : i32
    %add3A_206 = arith.addi %mul3A_2, %add3A_205 : i32
    %add3A_207 = vector.broadcast %add3A_206 : i32 to vector<16xi32>
    %add3A_208 = arith.addi %add3A_207, %iota3A : vector<16xi32>
    %mul3A_209 = arith.constant 2048 : i32
    %mul3A_210 = vector.broadcast %mul3A_209 : i32 to vector<16xi32>
    %mul3A_211 = arith.muli %add3A_208, %mul3A_210 : vector<16xi32>
    %and3A_212 = arith.constant 2047 : i32
    %and3A_213 = vector.broadcast %and3A_212 : i32 to vector<16xi32>
    %and3A_214 = arith.andi %add3A_208, %and3A_213 : vector<16xi32>
    %add3A_215 = arith.addi %mul3A_211, %and3A_214 : vector<16xi32>
    %swap3A_216 = arith.constant 1 : i32
    %swap3A_217 = arith.index_cast %swap3A_216 : i32 to index
    %swap3A_218 = arith.constant 64 : index
    %swap3A_219 = tpu.vector_load %arg6[%swap3A_217, %swap3A_218] {strides = array<i32>} : memref<4x128xi32, #tpu.memory_space<vmem>>, vector<1x16xi32>,
    %swap3A_220 = vector.shape_cast %swap3A_219 : vector<1x16xi32> to vector<16xi32>
    %swap3A_221 = vector.shape_cast %add3A_215 : vector<16xi32> to vector<1x16xi32>
    tpu.vector_store %arg6[%swap3A_217, %swap3A_218], %swap3A_221 {strides = array<i32>} : memref<4x128xi32, #tpu.memory_space<vmem>>, vector<1x16xi32>,
    %add3A_222 = arith.constant 208 : i32
    %add3A_223 = arith.addi %mul3A_2, %add3A_222 : i32
    %add3A_224 = vector.broadcast %add3A_223 : i32 to vector<16xi32>
    %add3A_225 = arith.addi %add3A_224, %iota3A : vector<16xi32>
    %mul3A_226 = arith.constant 2048 : i32
    %mul3A_227 = vector.broadcast %mul3A_226 : i32 to vector<16xi32>
    %mul3A_228 = arith.muli %add3A_225, %mul3A_227 : vector<16xi32>
    %and3A_229 = arith.constant 2047 : i32
    %and3A_230 = vector.broadcast %and3A_229 : i32 to vector<16xi32>
    %and3A_231 = arith.andi %add3A_225, %and3A_230 : vector<16xi32>
    %add3A_232 = arith.addi %mul3A_228, %and3A_231 : vector<16xi32>
    %swap3A_233 = arith.constant 1 : i32
    %swap3A_234 = arith.index_cast %swap3A_233 : i32 to index
    %swap3A_235 = arith.constant 80 : index
    %swap3A_236 = tpu.vector_load %arg6[%swap3A_234, %swap3A_235] {strides = array<i32>} : memref<4x128xi32, #tpu.memory_space<vmem>>, vector<1x16xi32>,
    %swap3A_237 = vector.shape_cast %swap3A_236 : vector<1x16xi32> to vector<16xi32>
    %swap3A_238 = vector.shape_cast %add3A_232 : vector<16xi32> to vector<1x16xi32>
    tpu.vector_store %arg6[%swap3A_234, %swap3A_235], %swap3A_238 {strides = array<i32>} : memref<4x128xi32, #tpu.memory_space<vmem>>, vector<1x16xi32>,
    %add3A_239 = arith.constant 224 : i32
    %add3A_240 = arith.addi %mul3A_2, %add3A_239 : i32
    %add3A_241 = vector.broadcast %add3A_240 : i32 to vector<16xi32>
    %add3A_242 = arith.addi %add3A_241, %iota3A : vector<16xi32>
    %mul3A_243 = arith.constant 2048 : i32
    %mul3A_244 = vector.broadcast %mul3A_243 : i32 to vector<16xi32>
    %mul3A_245 = arith.muli %add3A_242, %mul3A_244 : vector<16xi32>
    %and3A_246 = arith.constant 2047 : i32
    %and3A_247 = vector.broadcast %and3A_246 : i32 to vector<16xi32>
    %and3A_248 = arith.andi %add3A_242, %and3A_247 : vector<16xi32>
    %add3A_249 = arith.addi %mul3A_245, %and3A_248 : vector<16xi32>
    %swap3A_250 = arith.constant 1 : i32
    %swap3A_251 = arith.index_cast %swap3A_250 : i32 to index
    %swap3A_252 = arith.constant 96 : index
    %swap3A_253 = tpu.vector_load %arg6[%swap3A_251, %swap3A_252] {strides = array<i32>} : memref<4x128xi32, #tpu.memory_space<vmem>>, vector<1x16xi32>,
    %swap3A_254 = vector.shape_cast %swap3A_253 : vector<1x16xi32> to vector<16xi32>
    %swap3A_255 = vector.shape_cast %add3A_249 : vector<16xi32> to vector<1x16xi32>
    tpu.vector_store %arg6[%swap3A_251, %swap3A_252], %swap3A_255 {strides = array<i32>} : memref<4x128xi32, #tpu.memory_space<vmem>>, vector<1x16xi32>,
    %add3A_256 = arith.constant 240 : i32
    %add3A_257 = arith.addi %mul3A_2, %add3A_256 : i32
    %add3A_258 = vector.broadcast %add3A_257 : i32 to vector<16xi32>
    %add3A_259 = arith.addi %add3A_258, %iota3A : vector<16xi32>
    %mul3A_260 = arith.constant 2048 : i32
    %mul3A_261 = vector.broadcast %mul3A_260 : i32 to vector<16xi32>
    %mul3A_262 = arith.muli %add3A_259, %mul3A_261 : vector<16xi32>
    %and3A_263 = arith.constant 2047 : i32
    %and3A_264 = vector.broadcast %and3A_263 : i32 to vector<16xi32>
    %and3A_265 = arith.andi %add3A_259, %and3A_264 : vector<16xi32>
    %add3A_266 = arith.addi %mul3A_262, %and3A_265 : vector<16xi32>
    %swap3A_267 = arith.constant 1 : i32
    %swap3A_268 = arith.index_cast %swap3A_267 : i32 to index
    %swap3A_269 = arith.constant 112 : index
    %swap3A_270 = tpu.vector_load %arg6[%swap3A_268, %swap3A_269] {strides = array<i32>} : memref<4x128xi32, #tpu.memory_space<vmem>>, vector<1x16xi32>,
    %swap3A_271 = vector.shape_cast %swap3A_270 : vector<1x16xi32> to vector<16xi32>
    %swap3A_272 = vector.shape_cast %add3A_266 : vector<16xi32> to vector<1x16xi32>
    tpu.vector_store %arg6[%swap3A_268, %swap3A_269], %swap3A_272 {strides = array<i32>} : memref<4x128xi32, #tpu.memory_space<vmem>>, vector<1x16xi32>,
    %add3A_273 = arith.constant 256 : i32
    %add3A_274 = arith.addi %mul3A_2, %add3A_273 : i32
    %add3A_275 = vector.broadcast %add3A_274 : i32 to vector<16xi32>
    %add3A_276 = arith.addi %add3A_275, %iota3A : vector<16xi32>
    %mul3A_277 = arith.constant 2048 : i32
    %mul3A_278 = vector.broadcast %mul3A_277 : i32 to vector<16xi32>
    %mul3A_279 = arith.muli %add3A_276, %mul3A_278 : vector<16xi32>
    %and3A_280 = arith.constant 2047 : i32
    %and3A_281 = vector.broadcast %and3A_280 : i32 to vector<16xi32>
    %and3A_282 = arith.andi %add3A_276, %and3A_281 : vector<16xi32>
    %add3A_283 = arith.addi %mul3A_279, %and3A_282 : vector<16xi32>
    %swap3A_284 = arith.constant 2 : i32
    %swap3A_285 = arith.index_cast %swap3A_284 : i32 to index
    %swap3A_286 = arith.constant 0 : index
    %swap3A_287 = tpu.vector_load %arg6[%swap3A_285, %swap3A_286] {strides = array<i32>} : memref<4x128xi32, #tpu.memory_space<vmem>>, vector<1x16xi32>,
    %swap3A_288 = vector.shape_cast %swap3A_287 : vector<1x16xi32> to vector<16xi32>
    %swap3A_289 = vector.shape_cast %add3A_283 : vector<16xi32> to vector<1x16xi32>
    tpu.vector_store %arg6[%swap3A_285, %swap3A_286], %swap3A_289 {strides = array<i32>} : memref<4x128xi32, #tpu.memory_space<vmem>>, vector<1x16xi32>,
    %add3A_290 = arith.constant 272 : i32
    %add3A_291 = arith.addi %mul3A_2, %add3A_290 : i32
    %add3A_292 = vector.broadcast %add3A_291 : i32 to vector<16xi32>
    %add3A_293 = arith.addi %add3A_292, %iota3A : vector<16xi32>
    %mul3A_294 = arith.constant 2048 : i32
    %mul3A_295 = vector.broadcast %mul3A_294 : i32 to vector<16xi32>
    %mul3A_296 = arith.muli %add3A_293, %mul3A_295 : vector<16xi32>
    %and3A_297 = arith.constant 2047 : i32
    %and3A_298 = vector.broadcast %and3A_297 : i32 to vector<16xi32>
    %and3A_299 = arith.andi %add3A_293, %and3A_298 : vector<16xi32>
    %add3A_300 = arith.addi %mul3A_296, %and3A_299 : vector<16xi32>
    %swap3A_301 = arith.constant 2 : i32
    %swap3A_302 = arith.index_cast %swap3A_301 : i32 to index
    %swap3A_303 = arith.constant 16 : index
    %swap3A_304 = tpu.vector_load %arg6[%swap3A_302, %swap3A_303] {strides = array<i32>} : memref<4x128xi32, #tpu.memory_space<vmem>>, vector<1x16xi32>,
    %swap3A_305 = vector.shape_cast %swap3A_304 : vector<1x16xi32> to vector<16xi32>
    %swap3A_306 = vector.shape_cast %add3A_300 : vector<16xi32> to vector<1x16xi32>
    tpu.vector_store %arg6[%swap3A_302, %swap3A_303], %swap3A_306 {strides = array<i32>} : memref<4x128xi32, #tpu.memory_space<vmem>>, vector<1x16xi32>,
    %add3A_307 = arith.constant 288 : i32
    %add3A_308 = arith.addi %mul3A_2, %add3A_307 : i32
    %add3A_309 = vector.broadcast %add3A_308 : i32 to vector<16xi32>
    %add3A_310 = arith.addi %add3A_309, %iota3A : vector<16xi32>
    %mul3A_311 = arith.constant 2048 : i32
    %mul3A_312 = vector.broadcast %mul3A_311 : i32 to vector<16xi32>
    %mul3A_313 = arith.muli %add3A_310, %mul3A_312 : vector<16xi32>
    %and3A_314 = arith.constant 2047 : i32
    %and3A_315 = vector.broadcast %and3A_314 : i32 to vector<16xi32>
    %and3A_316 = arith.andi %add3A_310, %and3A_315 : vector<16xi32>
    %add3A_317 = arith.addi %mul3A_313, %and3A_316 : vector<16xi32>
    %swap3A_318 = arith.constant 2 : i32
    %swap3A_319 = arith.index_cast %swap3A_318 : i32 to index
    %swap3A_320 = arith.constant 32 : index
    %swap3A_321 = tpu.vector_load %arg6[%swap3A_319, %swap3A_320] {strides = array<i32>} : memref<4x128xi32, #tpu.memory_space<vmem>>, vector<1x16xi32>,
    %swap3A_322 = vector.shape_cast %swap3A_321 : vector<1x16xi32> to vector<16xi32>
    %swap3A_323 = vector.shape_cast %add3A_317 : vector<16xi32> to vector<1x16xi32>
    tpu.vector_store %arg6[%swap3A_319, %swap3A_320], %swap3A_323 {strides = array<i32>} : memref<4x128xi32, #tpu.memory_space<vmem>>, vector<1x16xi32>,
    %add3A_324 = arith.constant 304 : i32
    %add3A_325 = arith.addi %mul3A_2, %add3A_324 : i32
    %add3A_326 = vector.broadcast %add3A_325 : i32 to vector<16xi32>
    %add3A_327 = arith.addi %add3A_326, %iota3A : vector<16xi32>
    %mul3A_328 = arith.constant 2048 : i32
    %mul3A_329 = vector.broadcast %mul3A_328 : i32 to vector<16xi32>
    %mul3A_330 = arith.muli %add3A_327, %mul3A_329 : vector<16xi32>
    %and3A_331 = arith.constant 2047 : i32
    %and3A_332 = vector.broadcast %and3A_331 : i32 to vector<16xi32>
    %and3A_333 = arith.andi %add3A_327, %and3A_332 : vector<16xi32>
    %add3A_334 = arith.addi %mul3A_330, %and3A_333 : vector<16xi32>
    %swap3A_335 = arith.constant 2 : i32
    %swap3A_336 = arith.index_cast %swap3A_335 : i32 to index
    %swap3A_337 = arith.constant 48 : index
    %swap3A_338 = tpu.vector_load %arg6[%swap3A_336, %swap3A_337] {strides = array<i32>} : memref<4x128xi32, #tpu.memory_space<vmem>>, vector<1x16xi32>,
    %swap3A_339 = vector.shape_cast %swap3A_338 : vector<1x16xi32> to vector<16xi32>
    %swap3A_340 = vector.shape_cast %add3A_334 : vector<16xi32> to vector<1x16xi32>
    tpu.vector_store %arg6[%swap3A_336, %swap3A_337], %swap3A_340 {strides = array<i32>} : memref<4x128xi32, #tpu.memory_space<vmem>>, vector<1x16xi32>,
    %add3A_341 = arith.constant 320 : i32
    %add3A_342 = arith.addi %mul3A_2, %add3A_341 : i32
    %add3A_343 = vector.broadcast %add3A_342 : i32 to vector<16xi32>
    %add3A_344 = arith.addi %add3A_343, %iota3A : vector<16xi32>
    %mul3A_345 = arith.constant 2048 : i32
    %mul3A_346 = vector.broadcast %mul3A_345 : i32 to vector<16xi32>
    %mul3A_347 = arith.muli %add3A_344, %mul3A_346 : vector<16xi32>
    %and3A_348 = arith.constant 2047 : i32
    %and3A_349 = vector.broadcast %and3A_348 : i32 to vector<16xi32>
    %and3A_350 = arith.andi %add3A_344, %and3A_349 : vector<16xi32>
    %add3A_351 = arith.addi %mul3A_347, %and3A_350 : vector<16xi32>
    %swap3A_352 = arith.constant 2 : i32
    %swap3A_353 = arith.index_cast %swap3A_352 : i32 to index
    %swap3A_354 = arith.constant 64 : index
    %swap3A_355 = tpu.vector_load %arg6[%swap3A_353, %swap3A_354] {strides = array<i32>} : memref<4x128xi32, #tpu.memory_space<vmem>>, vector<1x16xi32>,
    %swap3A_356 = vector.shape_cast %swap3A_355 : vector<1x16xi32> to vector<16xi32>
    %swap3A_357 = vector.shape_cast %add3A_351 : vector<16xi32> to vector<1x16xi32>
    tpu.vector_store %arg6[%swap3A_353, %swap3A_354], %swap3A_357 {strides = array<i32>} : memref<4x128xi32, #tpu.memory_space<vmem>>, vector<1x16xi32>,
    %add3A_358 = arith.constant 336 : i32
    %add3A_359 = arith.addi %mul3A_2, %add3A_358 : i32
    %add3A_360 = vector.broadcast %add3A_359 : i32 to vector<16xi32>
    %add3A_361 = arith.addi %add3A_360, %iota3A : vector<16xi32>
    %mul3A_362 = arith.constant 2048 : i32
    %mul3A_363 = vector.broadcast %mul3A_362 : i32 to vector<16xi32>
    %mul3A_364 = arith.muli %add3A_361, %mul3A_363 : vector<16xi32>
    %and3A_365 = arith.constant 2047 : i32
    %and3A_366 = vector.broadcast %and3A_365 : i32 to vector<16xi32>
    %and3A_367 = arith.andi %add3A_361, %and3A_366 : vector<16xi32>
    %add3A_368 = arith.addi %mul3A_364, %and3A_367 : vector<16xi32>
    %swap3A_369 = arith.constant 2 : i32
    %swap3A_370 = arith.index_cast %swap3A_369 : i32 to index
    %swap3A_371 = arith.constant 80 : index
    %swap3A_372 = tpu.vector_load %arg6[%swap3A_370, %swap3A_371] {strides = array<i32>} : memref<4x128xi32, #tpu.memory_space<vmem>>, vector<1x16xi32>,
    %swap3A_373 = vector.shape_cast %swap3A_372 : vector<1x16xi32> to vector<16xi32>
    %swap3A_374 = vector.shape_cast %add3A_368 : vector<16xi32> to vector<1x16xi32>
    tpu.vector_store %arg6[%swap3A_370, %swap3A_371], %swap3A_374 {strides = array<i32>} : memref<4x128xi32, #tpu.memory_space<vmem>>, vector<1x16xi32>,
    %add3A_375 = arith.constant 352 : i32
    %add3A_376 = arith.addi %mul3A_2, %add3A_375 : i32
    %add3A_377 = vector.broadcast %add3A_376 : i32 to vector<16xi32>
    %add3A_378 = arith.addi %add3A_377, %iota3A : vector<16xi32>
    %mul3A_379 = arith.constant 2048 : i32
    %mul3A_380 = vector.broadcast %mul3A_379 : i32 to vector<16xi32>
    %mul3A_381 = arith.muli %add3A_378, %mul3A_380 : vector<16xi32>
    %and3A_382 = arith.constant 2047 : i32
    %and3A_383 = vector.broadcast %and3A_382 : i32 to vector<16xi32>
    %and3A_384 = arith.andi %add3A_378, %and3A_383 : vector<16xi32>
    %add3A_385 = arith.addi %mul3A_381, %and3A_384 : vector<16xi32>
    %swap3A_386 = arith.constant 2 : i32
    %swap3A_387 = arith.index_cast %swap3A_386 : i32 to index
    %swap3A_388 = arith.constant 96 : index
    %swap3A_389 = tpu.vector_load %arg6[%swap3A_387, %swap3A_388] {strides = array<i32>} : memref<4x128xi32, #tpu.memory_space<vmem>>, vector<1x16xi32>,
    %swap3A_390 = vector.shape_cast %swap3A_389 : vector<1x16xi32> to vector<16xi32>
    %swap3A_391 = vector.shape_cast %add3A_385 : vector<16xi32> to vector<1x16xi32>
    tpu.vector_store %arg6[%swap3A_387, %swap3A_388], %swap3A_391 {strides = array<i32>} : memref<4x128xi32, #tpu.memory_space<vmem>>, vector<1x16xi32>,
    %add3A_392 = arith.constant 368 : i32
    %add3A_393 = arith.addi %mul3A_2, %add3A_392 : i32
    %add3A_394 = vector.broadcast %add3A_393 : i32 to vector<16xi32>
    %add3A_395 = arith.addi %add3A_394, %iota3A : vector<16xi32>
    %mul3A_396 = arith.constant 2048 : i32
    %mul3A_397 = vector.broadcast %mul3A_396 : i32 to vector<16xi32>
    %mul3A_398 = arith.muli %add3A_395, %mul3A_397 : vector<16xi32>
    %and3A_399 = arith.constant 2047 : i32
    %and3A_400 = vector.broadcast %and3A_399 : i32 to vector<16xi32>
    %and3A_401 = arith.andi %add3A_395, %and3A_400 : vector<16xi32>
    %add3A_402 = arith.addi %mul3A_398, %and3A_401 : vector<16xi32>
    %swap3A_403 = arith.constant 2 : i32
    %swap3A_404 = arith.index_cast %swap3A_403 : i32 to index
    %swap3A_405 = arith.constant 112 : index
    %swap3A_406 = tpu.vector_load %arg6[%swap3A_404, %swap3A_405] {strides = array<i32>} : memref<4x128xi32, #tpu.memory_space<vmem>>, vector<1x16xi32>,
    %swap3A_407 = vector.shape_cast %swap3A_406 : vector<1x16xi32> to vector<16xi32>
    %swap3A_408 = vector.shape_cast %add3A_402 : vector<16xi32> to vector<1x16xi32>
    tpu.vector_store %arg6[%swap3A_404, %swap3A_405], %swap3A_408 {strides = array<i32>} : memref<4x128xi32, #tpu.memory_space<vmem>>, vector<1x16xi32>,
    %add3A_409 = arith.constant 384 : i32
    %add3A_410 = arith.addi %mul3A_2, %add3A_409 : i32
    %add3A_411 = vector.broadcast %add3A_410 : i32 to vector<16xi32>
    %add3A_412 = arith.addi %add3A_411, %iota3A : vector<16xi32>
    %mul3A_413 = arith.constant 2048 : i32
    %mul3A_414 = vector.broadcast %mul3A_413 : i32 to vector<16xi32>
    %mul3A_415 = arith.muli %add3A_412, %mul3A_414 : vector<16xi32>
    %and3A_416 = arith.constant 2047 : i32
    %and3A_417 = vector.broadcast %and3A_416 : i32 to vector<16xi32>
    %and3A_418 = arith.andi %add3A_412, %and3A_417 : vector<16xi32>
    %add3A_419 = arith.addi %mul3A_415, %and3A_418 : vector<16xi32>
    %swap3A_420 = arith.constant 3 : i32
    %swap3A_421 = arith.index_cast %swap3A_420 : i32 to index
    %swap3A_422 = arith.constant 0 : index
    %swap3A_423 = tpu.vector_load %arg6[%swap3A_421, %swap3A_422] {strides = array<i32>} : memref<4x128xi32, #tpu.memory_space<vmem>>, vector<1x16xi32>,
    %swap3A_424 = vector.shape_cast %swap3A_423 : vector<1x16xi32> to vector<16xi32>
    %swap3A_425 = vector.shape_cast %add3A_419 : vector<16xi32> to vector<1x16xi32>
    tpu.vector_store %arg6[%swap3A_421, %swap3A_422], %swap3A_425 {strides = array<i32>} : memref<4x128xi32, #tpu.memory_space<vmem>>, vector<1x16xi32>,
    %add3A_426 = arith.constant 400 : i32
    %add3A_427 = arith.addi %mul3A_2, %add3A_426 : i32
    %add3A_428 = vector.broadcast %add3A_427 : i32 to vector<16xi32>
    %add3A_429 = arith.addi %add3A_428, %iota3A : vector<16xi32>
    %mul3A_430 = arith.constant 2048 : i32
    %mul3A_431 = vector.broadcast %mul3A_430 : i32 to vector<16xi32>
    %mul3A_432 = arith.muli %add3A_429, %mul3A_431 : vector<16xi32>
    %and3A_433 = arith.constant 2047 : i32
    %and3A_434 = vector.broadcast %and3A_433 : i32 to vector<16xi32>
    %and3A_435 = arith.andi %add3A_429, %and3A_434 : vector<16xi32>
    %add3A_436 = arith.addi %mul3A_432, %and3A_435 : vector<16xi32>
    %swap3A_437 = arith.constant 3 : i32
    %swap3A_438 = arith.index_cast %swap3A_437 : i32 to index
    %swap3A_439 = arith.constant 16 : index
    %swap3A_440 = tpu.vector_load %arg6[%swap3A_438, %swap3A_439] {strides = array<i32>} : memref<4x128xi32, #tpu.memory_space<vmem>>, vector<1x16xi32>,
    %swap3A_441 = vector.shape_cast %swap3A_440 : vector<1x16xi32> to vector<16xi32>
    %swap3A_442 = vector.shape_cast %add3A_436 : vector<16xi32> to vector<1x16xi32>
    tpu.vector_store %arg6[%swap3A_438, %swap3A_439], %swap3A_442 {strides = array<i32>} : memref<4x128xi32, #tpu.memory_space<vmem>>, vector<1x16xi32>,
    %add3A_443 = arith.constant 416 : i32
    %add3A_444 = arith.addi %mul3A_2, %add3A_443 : i32
    %add3A_445 = vector.broadcast %add3A_444 : i32 to vector<16xi32>
    %add3A_446 = arith.addi %add3A_445, %iota3A : vector<16xi32>
    %mul3A_447 = arith.constant 2048 : i32
    %mul3A_448 = vector.broadcast %mul3A_447 : i32 to vector<16xi32>
    %mul3A_449 = arith.muli %add3A_446, %mul3A_448 : vector<16xi32>
    %and3A_450 = arith.constant 2047 : i32
    %and3A_451 = vector.broadcast %and3A_450 : i32 to vector<16xi32>
    %and3A_452 = arith.andi %add3A_446, %and3A_451 : vector<16xi32>
    %add3A_453 = arith.addi %mul3A_449, %and3A_452 : vector<16xi32>
    %swap3A_454 = arith.constant 3 : i32
    %swap3A_455 = arith.index_cast %swap3A_454 : i32 to index
    %swap3A_456 = arith.constant 32 : index
    %swap3A_457 = tpu.vector_load %arg6[%swap3A_455, %swap3A_456] {strides = array<i32>} : memref<4x128xi32, #tpu.memory_space<vmem>>, vector<1x16xi32>,
    %swap3A_458 = vector.shape_cast %swap3A_457 : vector<1x16xi32> to vector<16xi32>
    %swap3A_459 = vector.shape_cast %add3A_453 : vector<16xi32> to vector<1x16xi32>
    tpu.vector_store %arg6[%swap3A_455, %swap3A_456], %swap3A_459 {strides = array<i32>} : memref<4x128xi32, #tpu.memory_space<vmem>>, vector<1x16xi32>,
    %add3A_460 = arith.constant 432 : i32
    %add3A_461 = arith.addi %mul3A_2, %add3A_460 : i32
    %add3A_462 = vector.broadcast %add3A_461 : i32 to vector<16xi32>
    %add3A_463 = arith.addi %add3A_462, %iota3A : vector<16xi32>
    %mul3A_464 = arith.constant 2048 : i32
    %mul3A_465 = vector.broadcast %mul3A_464 : i32 to vector<16xi32>
    %mul3A_466 = arith.muli %add3A_463, %mul3A_465 : vector<16xi32>
    %and3A_467 = arith.constant 2047 : i32
    %and3A_468 = vector.broadcast %and3A_467 : i32 to vector<16xi32>
    %and3A_469 = arith.andi %add3A_463, %and3A_468 : vector<16xi32>
    %add3A_470 = arith.addi %mul3A_466, %and3A_469 : vector<16xi32>
    %swap3A_471 = arith.constant 3 : i32
    %swap3A_472 = arith.index_cast %swap3A_471 : i32 to index
    %swap3A_473 = arith.constant 48 : index
    %swap3A_474 = tpu.vector_load %arg6[%swap3A_472, %swap3A_473] {strides = array<i32>} : memref<4x128xi32, #tpu.memory_space<vmem>>, vector<1x16xi32>,
    %swap3A_475 = vector.shape_cast %swap3A_474 : vector<1x16xi32> to vector<16xi32>
    %swap3A_476 = vector.shape_cast %add3A_470 : vector<16xi32> to vector<1x16xi32>
    tpu.vector_store %arg6[%swap3A_472, %swap3A_473], %swap3A_476 {strides = array<i32>} : memref<4x128xi32, #tpu.memory_space<vmem>>, vector<1x16xi32>,
    %add3A_477 = arith.constant 448 : i32
    %add3A_478 = arith.addi %mul3A_2, %add3A_477 : i32
    %add3A_479 = vector.broadcast %add3A_478 : i32 to vector<16xi32>
    %add3A_480 = arith.addi %add3A_479, %iota3A : vector<16xi32>
    %mul3A_481 = arith.constant 2048 : i32
    %mul3A_482 = vector.broadcast %mul3A_481 : i32 to vector<16xi32>
    %mul3A_483 = arith.muli %add3A_480, %mul3A_482 : vector<16xi32>
    %and3A_484 = arith.constant 2047 : i32
    %and3A_485 = vector.broadcast %and3A_484 : i32 to vector<16xi32>
    %and3A_486 = arith.andi %add3A_480, %and3A_485 : vector<16xi32>
    %add3A_487 = arith.addi %mul3A_483, %and3A_486 : vector<16xi32>
    %swap3A_488 = arith.constant 3 : i32
    %swap3A_489 = arith.index_cast %swap3A_488 : i32 to index
    %swap3A_490 = arith.constant 64 : index
    %swap3A_491 = tpu.vector_load %arg6[%swap3A_489, %swap3A_490] {strides = array<i32>} : memref<4x128xi32, #tpu.memory_space<vmem>>, vector<1x16xi32>,
    %swap3A_492 = vector.shape_cast %swap3A_491 : vector<1x16xi32> to vector<16xi32>
    %swap3A_493 = vector.shape_cast %add3A_487 : vector<16xi32> to vector<1x16xi32>
    tpu.vector_store %arg6[%swap3A_489, %swap3A_490], %swap3A_493 {strides = array<i32>} : memref<4x128xi32, #tpu.memory_space<vmem>>, vector<1x16xi32>,
    %add3A_494 = arith.constant 464 : i32
    %add3A_495 = arith.addi %mul3A_2, %add3A_494 : i32
    %add3A_496 = vector.broadcast %add3A_495 : i32 to vector<16xi32>
    %add3A_497 = arith.addi %add3A_496, %iota3A : vector<16xi32>
    %mul3A_498 = arith.constant 2048 : i32
    %mul3A_499 = vector.broadcast %mul3A_498 : i32 to vector<16xi32>
    %mul3A_500 = arith.muli %add3A_497, %mul3A_499 : vector<16xi32>
    %and3A_501 = arith.constant 2047 : i32
    %and3A_502 = vector.broadcast %and3A_501 : i32 to vector<16xi32>
    %and3A_503 = arith.andi %add3A_497, %and3A_502 : vector<16xi32>
    %add3A_504 = arith.addi %mul3A_500, %and3A_503 : vector<16xi32>
    %swap3A_505 = arith.constant 3 : i32
    %swap3A_506 = arith.index_cast %swap3A_505 : i32 to index
    %swap3A_507 = arith.constant 80 : index
    %swap3A_508 = tpu.vector_load %arg6[%swap3A_506, %swap3A_507] {strides = array<i32>} : memref<4x128xi32, #tpu.memory_space<vmem>>, vector<1x16xi32>,
    %swap3A_509 = vector.shape_cast %swap3A_508 : vector<1x16xi32> to vector<16xi32>
    %swap3A_510 = vector.shape_cast %add3A_504 : vector<16xi32> to vector<1x16xi32>
    tpu.vector_store %arg6[%swap3A_506, %swap3A_507], %swap3A_510 {strides = array<i32>} : memref<4x128xi32, #tpu.memory_space<vmem>>, vector<1x16xi32>,
    %add3A_511 = arith.constant 480 : i32
    %add3A_512 = arith.addi %mul3A_2, %add3A_511 : i32
    %add3A_513 = vector.broadcast %add3A_512 : i32 to vector<16xi32>
    %add3A_514 = arith.addi %add3A_513, %iota3A : vector<16xi32>
    %mul3A_515 = arith.constant 2048 : i32
    %mul3A_516 = vector.broadcast %mul3A_515 : i32 to vector<16xi32>
    %mul3A_517 = arith.muli %add3A_514, %mul3A_516 : vector<16xi32>
    %and3A_518 = arith.constant 2047 : i32
    %and3A_519 = vector.broadcast %and3A_518 : i32 to vector<16xi32>
    %and3A_520 = arith.andi %add3A_514, %and3A_519 : vector<16xi32>
    %add3A_521 = arith.addi %mul3A_517, %and3A_520 : vector<16xi32>
    %swap3A_522 = arith.constant 3 : i32
    %swap3A_523 = arith.index_cast %swap3A_522 : i32 to index
    %swap3A_524 = arith.constant 96 : index
    %swap3A_525 = tpu.vector_load %arg6[%swap3A_523, %swap3A_524] {strides = array<i32>} : memref<4x128xi32, #tpu.memory_space<vmem>>, vector<1x16xi32>,
    %swap3A_526 = vector.shape_cast %swap3A_525 : vector<1x16xi32> to vector<16xi32>
    %swap3A_527 = vector.shape_cast %add3A_521 : vector<16xi32> to vector<1x16xi32>
    tpu.vector_store %arg6[%swap3A_523, %swap3A_524], %swap3A_527 {strides = array<i32>} : memref<4x128xi32, #tpu.memory_space<vmem>>, vector<1x16xi32>,
    %add3A_528 = arith.constant 496 : i32
    %add3A_529 = arith.addi %mul3A_2, %add3A_528 : i32
    %add3A_530 = vector.broadcast %add3A_529 : i32 to vector<16xi32>
    %add3A_531 = arith.addi %add3A_530, %iota3A : vector<16xi32>
    %mul3A_532 = arith.constant 2048 : i32
    %mul3A_533 = vector.broadcast %mul3A_532 : i32 to vector<16xi32>
    %mul3A_534 = arith.muli %add3A_531, %mul3A_533 : vector<16xi32>
    %and3A_535 = arith.constant 2047 : i32
    %and3A_536 = vector.broadcast %and3A_535 : i32 to vector<16xi32>
    %and3A_537 = arith.andi %add3A_531, %and3A_536 : vector<16xi32>
    %add3A_538 = arith.addi %mul3A_534, %and3A_537 : vector<16xi32>
    %swap3A_539 = arith.constant 3 : i32
    %swap3A_540 = arith.index_cast %swap3A_539 : i32 to index
    %swap3A_541 = arith.constant 112 : index
    %swap3A_542 = tpu.vector_load %arg6[%swap3A_540, %swap3A_541] {strides = array<i32>} : memref<4x128xi32, #tpu.memory_space<vmem>>, vector<1x16xi32>,
    %swap3A_543 = vector.shape_cast %swap3A_542 : vector<1x16xi32> to vector<16xi32>
    %swap3A_544 = vector.shape_cast %add3A_538 : vector<16xi32> to vector<1x16xi32>
    tpu.vector_store %arg6[%swap3A_540, %swap3A_541], %swap3A_544 {strides = array<i32>} : memref<4x128xi32, #tpu.memory_space<vmem>>, vector<1x16xi32>,
    %dma_start3A = arith.constant 0 : i32
    %dma_start3A_545 = arith.constant 0 : i32
    %dma_start3A_546 = arith.constant 0 : i32
    %dma_start3A_547 = tpu.memref_slice %arg7[%dma_start3A_545, %dma_start3A_546] : memref<4x128xf32, #tpu.memory_space<vmem>> -> memref<1x128xf32, #tpu.memory_space<vmem>>
    %dma_start3A_548 = tpu.memref_squeeze %dma_start3A_547 : memref<1x128xf32, #tpu.memory_space<vmem>> -> memref<128xf32, #tpu.memory_space<vmem>>
    %dma_start3A_549 = arith.constant 0 : i32
    %dma_start3A_550 = tpu.memref_slice %arg6[%dma_start3A, %dma_start3A_549] : memref<4x128xi32, #tpu.memory_space<vmem>> -> memref<1x128xi32, #tpu.memory_space<vmem>>
    %dma_start3A_551 = tpu.memref_squeeze %dma_start3A_550 : memref<1x128xi32, #tpu.memory_space<vmem>> -> memref<128xi32, #tpu.memory_space<vmem>>
    %dma_start3A_552 = arith.constant 0 : i32
    %dma_start3A_553 = tpu.memref_slice %arg4[%dma_start3A_552] : memref<33554432xf32, #tpu.memory_space<hbm>> -> memref<33554432xf32, #tpu.memory_space<hbm>>
    tpu.enqueue_indirect_dma source(%dma_start3A_553 : memref<33554432xf32, #tpu.memory_space<hbm>>) target(%dma_start3A_548 : memref<128xf32, #tpu.memory_space<vmem>>) offsets(%dma_start3A_551 : memref<128xi32, #tpu.memory_space<vmem>>) semaphore(%arg10 : memref<!tpu.dma_semaphore, #tpu.memory_space<semaphore_mem>>)
    %dma_start3A_554 = arith.constant 1 : i32
    %dma_start3A_555 = arith.constant 1 : i32
    %dma_start3A_556 = arith.constant 0 : i32
    %dma_start3A_557 = tpu.memref_slice %arg7[%dma_start3A_555, %dma_start3A_556] : memref<4x128xf32, #tpu.memory_space<vmem>> -> memref<1x128xf32, #tpu.memory_space<vmem>>
    %dma_start3A_558 = tpu.memref_squeeze %dma_start3A_557 : memref<1x128xf32, #tpu.memory_space<vmem>> -> memref<128xf32, #tpu.memory_space<vmem>>
    %dma_start3A_559 = arith.constant 0 : i32
    %dma_start3A_560 = tpu.memref_slice %arg6[%dma_start3A_554, %dma_start3A_559] : memref<4x128xi32, #tpu.memory_space<vmem>> -> memref<1x128xi32, #tpu.memory_space<vmem>>
    %dma_start3A_561 = tpu.memref_squeeze %dma_start3A_560 : memref<1x128xi32, #tpu.memory_space<vmem>> -> memref<128xi32, #tpu.memory_space<vmem>>
    %dma_start3A_562 = arith.constant 0 : i32
    %dma_start3A_563 = tpu.memref_slice %arg4[%dma_start3A_562] : memref<33554432xf32, #tpu.memory_space<hbm>> -> memref<33554432xf32, #tpu.memory_space<hbm>>
    tpu.enqueue_indirect_dma source(%dma_start3A_563 : memref<33554432xf32, #tpu.memory_space<hbm>>) target(%dma_start3A_558 : memref<128xf32, #tpu.memory_space<vmem>>) offsets(%dma_start3A_561 : memref<128xi32, #tpu.memory_space<vmem>>) semaphore(%arg10 : memref<!tpu.dma_semaphore, #tpu.memory_space<semaphore_mem>>)
    %dma_start3A_564 = arith.constant 2 : i32
    %dma_start3A_565 = arith.constant 2 : i32
    %dma_start3A_566 = arith.constant 0 : i32
    %dma_start3A_567 = tpu.memref_slice %arg7[%dma_start3A_565, %dma_start3A_566] : memref<4x128xf32, #tpu.memory_space<vmem>> -> memref<1x128xf32, #tpu.memory_space<vmem>>
    %dma_start3A_568 = tpu.memref_squeeze %dma_start3A_567 : memref<1x128xf32, #tpu.memory_space<vmem>> -> memref<128xf32, #tpu.memory_space<vmem>>
    %dma_start3A_569 = arith.constant 0 : i32
    %dma_start3A_570 = tpu.memref_slice %arg6[%dma_start3A_564, %dma_start3A_569] : memref<4x128xi32, #tpu.memory_space<vmem>> -> memref<1x128xi32, #tpu.memory_space<vmem>>
    %dma_start3A_571 = tpu.memref_squeeze %dma_start3A_570 : memref<1x128xi32, #tpu.memory_space<vmem>> -> memref<128xi32, #tpu.memory_space<vmem>>
    %dma_start3A_572 = arith.constant 0 : i32
    %dma_start3A_573 = tpu.memref_slice %arg4[%dma_start3A_572] : memref<33554432xf32, #tpu.memory_space<hbm>> -> memref<33554432xf32, #tpu.memory_space<hbm>>
    tpu.enqueue_indirect_dma source(%dma_start3A_573 : memref<33554432xf32, #tpu.memory_space<hbm>>) target(%dma_start3A_568 : memref<128xf32, #tpu.memory_space<vmem>>) offsets(%dma_start3A_571 : memref<128xi32, #tpu.memory_space<vmem>>) semaphore(%arg10 : memref<!tpu.dma_semaphore, #tpu.memory_space<semaphore_mem>>)
    %dma_start3A_574 = arith.constant 3 : i32
    %dma_start3A_575 = arith.constant 3 : i32
    %dma_start3A_576 = arith.constant 0 : i32
    %dma_start3A_577 = tpu.memref_slice %arg7[%dma_start3A_575, %dma_start3A_576] : memref<4x128xf32, #tpu.memory_space<vmem>> -> memref<1x128xf32, #tpu.memory_space<vmem>>
    %dma_start3A_578 = tpu.memref_squeeze %dma_start3A_577 : memref<1x128xf32, #tpu.memory_space<vmem>> -> memref<128xf32, #tpu.memory_space<vmem>>
    %dma_start3A_579 = arith.constant 0 : i32
    %dma_start3A_580 = tpu.memref_slice %arg6[%dma_start3A_574, %dma_start3A_579] : memref<4x128xi32, #tpu.memory_space<vmem>> -> memref<1x128xi32, #tpu.memory_space<vmem>>
    %dma_start3A_581 = tpu.memref_squeeze %dma_start3A_580 : memref<1x128xi32, #tpu.memory_space<vmem>> -> memref<128xi32, #tpu.memory_space<vmem>>
    %dma_start3A_582 = arith.constant 0 : i32
    %dma_start3A_583 = tpu.memref_slice %arg4[%dma_start3A_582] : memref<33554432xf32, #tpu.memory_space<hbm>> -> memref<33554432xf32, #tpu.memory_space<hbm>>
    tpu.enqueue_indirect_dma source(%dma_start3A_583 : memref<33554432xf32, #tpu.memory_space<hbm>>) target(%dma_start3A_578 : memref<128xf32, #tpu.memory_space<vmem>>) offsets(%dma_start3A_581 : memref<128xi32, #tpu.memory_space<vmem>>) semaphore(%arg10 : memref<!tpu.dma_semaphore, #tpu.memory_space<semaphore_mem>>)
    %dma_wait3A = arith.constant 0 : i32
    %dma_wait3A_584 = arith.constant 0 : i32
    %dma_wait3A_585 = arith.constant 0 : i32
    %dma_wait3A_586 = tpu.memref_slice %arg7[%dma_wait3A_584, %dma_wait3A_585] : memref<4x128xf32, #tpu.memory_space<vmem>> -> memref<1x128xf32, #tpu.memory_space<vmem>>
    %dma_wait3A_587 = tpu.memref_squeeze %dma_wait3A_586 : memref<1x128xf32, #tpu.memory_space<vmem>> -> memref<128xf32, #tpu.memory_space<vmem>>
    %dma_wait3A_588 = arith.constant 0 : i32
    %dma_wait3A_589 = tpu.memref_slice %arg6[%dma_wait3A, %dma_wait3A_588] : memref<4x128xi32, #tpu.memory_space<vmem>> -> memref<1x128xi32, #tpu.memory_space<vmem>>
    %dma_wait3A_590 = tpu.memref_squeeze %dma_wait3A_589 : memref<1x128xi32, #tpu.memory_space<vmem>> -> memref<128xi32, #tpu.memory_space<vmem>>
    %dma_wait3A_591 = arith.constant 0 : i32
    %dma_wait3A_592 = tpu.memref_slice %arg4[%dma_wait3A_591] : memref<33554432xf32, #tpu.memory_space<hbm>> -> memref<33554432xf32, #tpu.memory_space<hbm>>
    tpu.wait_indirect_dma semaphore(%arg10 : memref<!tpu.dma_semaphore, #tpu.memory_space<semaphore_mem>>) src(%dma_wait3A_592 : memref<33554432xf32, #tpu.memory_space<hbm>>) dst(%dma_wait3A_587 : memref<128xf32, #tpu.memory_space<vmem>>)
    %dma_wait3A_593 = arith.constant 1 : i32
    %dma_wait3A_594 = arith.constant 1 : i32
    %dma_wait3A_595 = arith.constant 0 : i32
    %dma_wait3A_596 = tpu.memref_slice %arg7[%dma_wait3A_594, %dma_wait3A_595] : memref<4x128xf32, #tpu.memory_space<vmem>> -> memref<1x128xf32, #tpu.memory_space<vmem>>
    %dma_wait3A_597 = tpu.memref_squeeze %dma_wait3A_596 : memref<1x128xf32, #tpu.memory_space<vmem>> -> memref<128xf32, #tpu.memory_space<vmem>>
    %dma_wait3A_598 = arith.constant 0 : i32
    %dma_wait3A_599 = tpu.memref_slice %arg6[%dma_wait3A_593, %dma_wait3A_598] : memref<4x128xi32, #tpu.memory_space<vmem>> -> memref<1x128xi32, #tpu.memory_space<vmem>>
    %dma_wait3A_600 = tpu.memref_squeeze %dma_wait3A_599 : memref<1x128xi32, #tpu.memory_space<vmem>> -> memref<128xi32, #tpu.memory_space<vmem>>
    %dma_wait3A_601 = arith.constant 0 : i32
    %dma_wait3A_602 = tpu.memref_slice %arg4[%dma_wait3A_601] : memref<33554432xf32, #tpu.memory_space<hbm>> -> memref<33554432xf32, #tpu.memory_space<hbm>>
    tpu.wait_indirect_dma semaphore(%arg10 : memref<!tpu.dma_semaphore, #tpu.memory_space<semaphore_mem>>) src(%dma_wait3A_602 : memref<33554432xf32, #tpu.memory_space<hbm>>) dst(%dma_wait3A_597 : memref<128xf32, #tpu.memory_space<vmem>>)
    %dma_wait3A_603 = arith.constant 2 : i32
    %dma_wait3A_604 = arith.constant 2 : i32
    %dma_wait3A_605 = arith.constant 0 : i32
    %dma_wait3A_606 = tpu.memref_slice %arg7[%dma_wait3A_604, %dma_wait3A_605] : memref<4x128xf32, #tpu.memory_space<vmem>> -> memref<1x128xf32, #tpu.memory_space<vmem>>
    %dma_wait3A_607 = tpu.memref_squeeze %dma_wait3A_606 : memref<1x128xf32, #tpu.memory_space<vmem>> -> memref<128xf32, #tpu.memory_space<vmem>>
    %dma_wait3A_608 = arith.constant 0 : i32
    %dma_wait3A_609 = tpu.memref_slice %arg6[%dma_wait3A_603, %dma_wait3A_608] : memref<4x128xi32, #tpu.memory_space<vmem>> -> memref<1x128xi32, #tpu.memory_space<vmem>>
    %dma_wait3A_610 = tpu.memref_squeeze %dma_wait3A_609 : memref<1x128xi32, #tpu.memory_space<vmem>> -> memref<128xi32, #tpu.memory_space<vmem>>
    %dma_wait3A_611 = arith.constant 0 : i32
    %dma_wait3A_612 = tpu.memref_slice %arg4[%dma_wait3A_611] : memref<33554432xf32, #tpu.memory_space<hbm>> -> memref<33554432xf32, #tpu.memory_space<hbm>>
    tpu.wait_indirect_dma semaphore(%arg10 : memref<!tpu.dma_semaphore, #tpu.memory_space<semaphore_mem>>) src(%dma_wait3A_612 : memref<33554432xf32, #tpu.memory_space<hbm>>) dst(%dma_wait3A_607 : memref<128xf32, #tpu.memory_space<vmem>>)
    %dma_wait3A_613 = arith.constant 3 : i32
    %dma_wait3A_614 = arith.constant 3 : i32
    %dma_wait3A_615 = arith.constant 0 : i32
    %dma_wait3A_616 = tpu.memref_slice %arg7[%dma_wait3A_614, %dma_wait3A_615] : memref<4x128xf32, #tpu.memory_space<vmem>> -> memref<1x128xf32, #tpu.memory_space<vmem>>
    %dma_wait3A_617 = tpu.memref_squeeze %dma_wait3A_616 : memref<1x128xf32, #tpu.memory_space<vmem>> -> memref<128xf32, #tpu.memory_space<vmem>>
    %dma_wait3A_618 = arith.constant 0 : i32
    %dma_wait3A_619 = tpu.memref_slice %arg6[%dma_wait3A_613, %dma_wait3A_618] : memref<4x128xi32, #tpu.memory_space<vmem>> -> memref<1x128xi32, #tpu.memory_space<vmem>>
    %dma_wait3A_620 = tpu.memref_squeeze %dma_wait3A_619 : memref<1x128xi32, #tpu.memory_space<vmem>> -> memref<128xi32, #tpu.memory_space<vmem>>
    %dma_wait3A_621 = arith.constant 0 : i32
    %dma_wait3A_622 = tpu.memref_slice %arg4[%dma_wait3A_621] : memref<33554432xf32, #tpu.memory_space<hbm>> -> memref<33554432xf32, #tpu.memory_space<hbm>>
    tpu.wait_indirect_dma semaphore(%arg10 : memref<!tpu.dma_semaphore, #tpu.memory_space<semaphore_mem>>) src(%dma_wait3A_622 : memref<33554432xf32, #tpu.memory_space<hbm>>) dst(%dma_wait3A_617 : memref<128xf32, #tpu.memory_space<vmem>>)
    %get3A = arith.constant 0 : index
    %get3A_623 = tpu.vector_load %arg9[%get3A] {strides = array<i32>} : memref<16xf32, #tpu.memory_space<vmem>>, vector<16xf32>,
    %get3A_624 = vector.shape_cast %get3A_623 : vector<16xf32> to vector<16xf32>
    %exp3A = math.exp %get3A_624 : vector<16xf32>
    %get3A_625 = arith.constant 0 : index
    %get3A_626 = tpu.vector_load %arg8[%get3A_625] {strides = array<i32>} : memref<512xf32, #tpu.memory_space<vmem>>, vector<16xf32>,
    %get3A_627 = vector.shape_cast %get3A_626 : vector<16xf32> to vector<16xf32>
    %get3A_628 = arith.constant 0 : i32
    %get3A_629 = arith.index_cast %get3A_628 : i32 to index
    %get3A_630 = arith.constant 0 : index
    %get3A_631 = tpu.vector_load %arg7[%get3A_629, %get3A_630] {strides = array<i32>} : memref<4x128xf32, #tpu.memory_space<vmem>>, vector<1x16xf32>,
    %get3A_632 = vector.shape_cast %get3A_631 : vector<1x16xf32> to vector<16xf32>
    %exp3A_633 = math.exp %get3A_627 : vector<16xf32>
    %add3A_634 = arith.addf %get3A_632, %exp3A_633 : vector<16xf32>
    %add3A_635 = arith.addf %add3A_634, %exp3A : vector<16xf32>
    %swap3A_636 = arith.constant 0 : i32
    %swap3A_637 = arith.index_cast %swap3A_636 : i32 to index
    %swap3A_638 = arith.constant 0 : index
    %swap3A_639 = tpu.vector_load %arg7[%swap3A_637, %swap3A_638] {strides = array<i32>} : memref<4x128xf32, #tpu.memory_space<vmem>>, vector<1x16xf32>,
    %swap3A_640 = vector.shape_cast %swap3A_639 : vector<1x16xf32> to vector<16xf32>
    %swap3A_641 = vector.shape_cast %add3A_635 : vector<16xf32> to vector<1x16xf32>
    tpu.vector_store %arg7[%swap3A_637, %swap3A_638], %swap3A_641 {strides = array<i32>} : memref<4x128xf32, #tpu.memory_space<vmem>>, vector<1x16xf32>,
    %get3A_642 = arith.constant 16 : index
    %get3A_643 = tpu.vector_load %arg8[%get3A_642] {strides = array<i32>} : memref<512xf32, #tpu.memory_space<vmem>>, vector<16xf32>,
    %get3A_644 = vector.shape_cast %get3A_643 : vector<16xf32> to vector<16xf32>
    %get3A_645 = arith.constant 0 : i32
    %get3A_646 = arith.index_cast %get3A_645 : i32 to index
    %get3A_647 = arith.constant 16 : index
    %get3A_648 = tpu.vector_load %arg7[%get3A_646, %get3A_647] {strides = array<i32>} : memref<4x128xf32, #tpu.memory_space<vmem>>, vector<1x16xf32>,
    %get3A_649 = vector.shape_cast %get3A_648 : vector<1x16xf32> to vector<16xf32>
    %exp3A_650 = math.exp %get3A_644 : vector<16xf32>
    %add3A_651 = arith.addf %get3A_649, %exp3A_650 : vector<16xf32>
    %add3A_652 = arith.addf %add3A_651, %exp3A : vector<16xf32>
    %swap3A_653 = arith.constant 0 : i32
    %swap3A_654 = arith.index_cast %swap3A_653 : i32 to index
    %swap3A_655 = arith.constant 16 : index
    %swap3A_656 = tpu.vector_load %arg7[%swap3A_654, %swap3A_655] {strides = array<i32>} : memref<4x128xf32, #tpu.memory_space<vmem>>, vector<1x16xf32>,
    %swap3A_657 = vector.shape_cast %swap3A_656 : vector<1x16xf32> to vector<16xf32>
    %swap3A_658 = vector.shape_cast %add3A_652 : vector<16xf32> to vector<1x16xf32>
    tpu.vector_store %arg7[%swap3A_654, %swap3A_655], %swap3A_658 {strides = array<i32>} : memref<4x128xf32, #tpu.memory_space<vmem>>, vector<1x16xf32>,
    %get3A_659 = arith.constant 32 : index
    %get3A_660 = tpu.vector_load %arg8[%get3A_659] {strides = array<i32>} : memref<512xf32, #tpu.memory_space<vmem>>, vector<16xf32>,
    %get3A_661 = vector.shape_cast %get3A_660 : vector<16xf32> to vector<16xf32>
    %get3A_662 = arith.constant 0 : i32
    %get3A_663 = arith.index_cast %get3A_662 : i32 to index
    %get3A_664 = arith.constant 32 : index
    %get3A_665 = tpu.vector_load %arg7[%get3A_663, %get3A_664] {strides = array<i32>} : memref<4x128xf32, #tpu.memory_space<vmem>>, vector<1x16xf32>,
    %get3A_666 = vector.shape_cast %get3A_665 : vector<1x16xf32> to vector<16xf32>
    %exp3A_667 = math.exp %get3A_661 : vector<16xf32>
    %add3A_668 = arith.addf %get3A_666, %exp3A_667 : vector<16xf32>
    %add3A_669 = arith.addf %add3A_668, %exp3A : vector<16xf32>
    %swap3A_670 = arith.constant 0 : i32
    %swap3A_671 = arith.index_cast %swap3A_670 : i32 to index
    %swap3A_672 = arith.constant 32 : index
    %swap3A_673 = tpu.vector_load %arg7[%swap3A_671, %swap3A_672] {strides = array<i32>} : memref<4x128xf32, #tpu.memory_space<vmem>>, vector<1x16xf32>,
    %swap3A_674 = vector.shape_cast %swap3A_673 : vector<1x16xf32> to vector<16xf32>
    %swap3A_675 = vector.shape_cast %add3A_669 : vector<16xf32> to vector<1x16xf32>
    tpu.vector_store %arg7[%swap3A_671, %swap3A_672], %swap3A_675 {strides = array<i32>} : memref<4x128xf32, #tpu.memory_space<vmem>>, vector<1x16xf32>,
    %get3A_676 = arith.constant 48 : index
    %get3A_677 = tpu.vector_load %arg8[%get3A_676] {strides = array<i32>} : memref<512xf32, #tpu.memory_space<vmem>>, vector<16xf32>,
    %get3A_678 = vector.shape_cast %get3A_677 : vector<16xf32> to vector<16xf32>
    %get3A_679 = arith.constant 0 : i32
    %get3A_680 = arith.index_cast %get3A_679 : i32 to index
    %get3A_681 = arith.constant 48 : index
    %get3A_682 = tpu.vector_load %arg7[%get3A_680, %get3A_681] {strides = array<i32>} : memref<4x128xf32, #tpu.memory_space<vmem>>, vector<1x16xf32>,
    %get3A_683 = vector.shape_cast %get3A_682 : vector<1x16xf32> to vector<16xf32>
    %exp3A_684 = math.exp %get3A_678 : vector<16xf32>
    %add3A_685 = arith.addf %get3A_683, %exp3A_684 : vector<16xf32>
    %add3A_686 = arith.addf %add3A_685, %exp3A : vector<16xf32>
    %swap3A_687 = arith.constant 0 : i32
    %swap3A_688 = arith.index_cast %swap3A_687 : i32 to index
    %swap3A_689 = arith.constant 48 : index
    %swap3A_690 = tpu.vector_load %arg7[%swap3A_688, %swap3A_689] {strides = array<i32>} : memref<4x128xf32, #tpu.memory_space<vmem>>, vector<1x16xf32>,
    %swap3A_691 = vector.shape_cast %swap3A_690 : vector<1x16xf32> to vector<16xf32>
    %swap3A_692 = vector.shape_cast %add3A_686 : vector<16xf32> to vector<1x16xf32>
    tpu.vector_store %arg7[%swap3A_688, %swap3A_689], %swap3A_692 {strides = array<i32>} : memref<4x128xf32, #tpu.memory_space<vmem>>, vector<1x16xf32>,
    %get3A_693 = arith.constant 64 : index
    %get3A_694 = tpu.vector_load %arg8[%get3A_693] {strides = array<i32>} : memref<512xf32, #tpu.memory_space<vmem>>, vector<16xf32>,
    %get3A_695 = vector.shape_cast %get3A_694 : vector<16xf32> to vector<16xf32>
    %get3A_696 = arith.constant 0 : i32
    %get3A_697 = arith.index_cast %get3A_696 : i32 to index
    %get3A_698 = arith.constant 64 : index
    %get3A_699 = tpu.vector_load %arg7[%get3A_697, %get3A_698] {strides = array<i32>} : memref<4x128xf32, #tpu.memory_space<vmem>>, vector<1x16xf32>,
    %get3A_700 = vector.shape_cast %get3A_699 : vector<1x16xf32> to vector<16xf32>
    %exp3A_701 = math.exp %get3A_695 : vector<16xf32>
    %add3A_702 = arith.addf %get3A_700, %exp3A_701 : vector<16xf32>
    %add3A_703 = arith.addf %add3A_702, %exp3A : vector<16xf32>
    %swap3A_704 = arith.constant 0 : i32
    %swap3A_705 = arith.index_cast %swap3A_704 : i32 to index
    %swap3A_706 = arith.constant 64 : index
    %swap3A_707 = tpu.vector_load %arg7[%swap3A_705, %swap3A_706] {strides = array<i32>} : memref<4x128xf32, #tpu.memory_space<vmem>>, vector<1x16xf32>,
    %swap3A_708 = vector.shape_cast %swap3A_707 : vector<1x16xf32> to vector<16xf32>
    %swap3A_709 = vector.shape_cast %add3A_703 : vector<16xf32> to vector<1x16xf32>
    tpu.vector_store %arg7[%swap3A_705, %swap3A_706], %swap3A_709 {strides = array<i32>} : memref<4x128xf32, #tpu.memory_space<vmem>>, vector<1x16xf32>,
    %get3A_710 = arith.constant 80 : index
    %get3A_711 = tpu.vector_load %arg8[%get3A_710] {strides = array<i32>} : memref<512xf32, #tpu.memory_space<vmem>>, vector<16xf32>,
    %get3A_712 = vector.shape_cast %get3A_711 : vector<16xf32> to vector<16xf32>
    %get3A_713 = arith.constant 0 : i32
    %get3A_714 = arith.index_cast %get3A_713 : i32 to index
    %get3A_715 = arith.constant 80 : index
    %get3A_716 = tpu.vector_load %arg7[%get3A_714, %get3A_715] {strides = array<i32>} : memref<4x128xf32, #tpu.memory_space<vmem>>, vector<1x16xf32>,
    %get3A_717 = vector.shape_cast %get3A_716 : vector<1x16xf32> to vector<16xf32>
    %exp3A_718 = math.exp %get3A_712 : vector<16xf32>
    %add3A_719 = arith.addf %get3A_717, %exp3A_718 : vector<16xf32>
    %add3A_720 = arith.addf %add3A_719, %exp3A : vector<16xf32>
    %swap3A_721 = arith.constant 0 : i32
    %swap3A_722 = arith.index_cast %swap3A_721 : i32 to index
    %swap3A_723 = arith.constant 80 : index
    %swap3A_724 = tpu.vector_load %arg7[%swap3A_722, %swap3A_723] {strides = array<i32>} : memref<4x128xf32, #tpu.memory_space<vmem>>, vector<1x16xf32>,
    %swap3A_725 = vector.shape_cast %swap3A_724 : vector<1x16xf32> to vector<16xf32>
    %swap3A_726 = vector.shape_cast %add3A_720 : vector<16xf32> to vector<1x16xf32>
    tpu.vector_store %arg7[%swap3A_722, %swap3A_723], %swap3A_726 {strides = array<i32>} : memref<4x128xf32, #tpu.memory_space<vmem>>, vector<1x16xf32>,
    %get3A_727 = arith.constant 96 : index
    %get3A_728 = tpu.vector_load %arg8[%get3A_727] {strides = array<i32>} : memref<512xf32, #tpu.memory_space<vmem>>, vector<16xf32>,
    %get3A_729 = vector.shape_cast %get3A_728 : vector<16xf32> to vector<16xf32>
    %get3A_730 = arith.constant 0 : i32
    %get3A_731 = arith.index_cast %get3A_730 : i32 to index
    %get3A_732 = arith.constant 96 : index
    %get3A_733 = tpu.vector_load %arg7[%get3A_731, %get3A_732] {strides = array<i32>} : memref<4x128xf32, #tpu.memory_space<vmem>>, vector<1x16xf32>,
    %get3A_734 = vector.shape_cast %get3A_733 : vector<1x16xf32> to vector<16xf32>
    %exp3A_735 = math.exp %get3A_729 : vector<16xf32>
    %add3A_736 = arith.addf %get3A_734, %exp3A_735 : vector<16xf32>
    %add3A_737 = arith.addf %add3A_736, %exp3A : vector<16xf32>
    %swap3A_738 = arith.constant 0 : i32
    %swap3A_739 = arith.index_cast %swap3A_738 : i32 to index
    %swap3A_740 = arith.constant 96 : index
    %swap3A_741 = tpu.vector_load %arg7[%swap3A_739, %swap3A_740] {strides = array<i32>} : memref<4x128xf32, #tpu.memory_space<vmem>>, vector<1x16xf32>,
    %swap3A_742 = vector.shape_cast %swap3A_741 : vector<1x16xf32> to vector<16xf32>
    %swap3A_743 = vector.shape_cast %add3A_737 : vector<16xf32> to vector<1x16xf32>
    tpu.vector_store %arg7[%swap3A_739, %swap3A_740], %swap3A_743 {strides = array<i32>} : memref<4x128xf32, #tpu.memory_space<vmem>>, vector<1x16xf32>,
    %get3A_744 = arith.constant 112 : index
    %get3A_745 = tpu.vector_load %arg8[%get3A_744] {strides = array<i32>} : memref<512xf32, #tpu.memory_space<vmem>>, vector<16xf32>,
    %get3A_746 = vector.shape_cast %get3A_745 : vector<16xf32> to vector<16xf32>
    %get3A_747 = arith.constant 0 : i32
    %get3A_748 = arith.index_cast %get3A_747 : i32 to index
    %get3A_749 = arith.constant 112 : index
    %get3A_750 = tpu.vector_load %arg7[%get3A_748, %get3A_749] {strides = array<i32>} : memref<4x128xf32, #tpu.memory_space<vmem>>, vector<1x16xf32>,
    %get3A_751 = vector.shape_cast %get3A_750 : vector<1x16xf32> to vector<16xf32>
    %exp3A_752 = math.exp %get3A_746 : vector<16xf32>
    %add3A_753 = arith.addf %get3A_751, %exp3A_752 : vector<16xf32>
    %add3A_754 = arith.addf %add3A_753, %exp3A : vector<16xf32>
    %swap3A_755 = arith.constant 0 : i32
    %swap3A_756 = arith.index_cast %swap3A_755 : i32 to index
    %swap3A_757 = arith.constant 112 : index
    %swap3A_758 = tpu.vector_load %arg7[%swap3A_756, %swap3A_757] {strides = array<i32>} : memref<4x128xf32, #tpu.memory_space<vmem>>, vector<1x16xf32>,
    %swap3A_759 = vector.shape_cast %swap3A_758 : vector<1x16xf32> to vector<16xf32>
    %swap3A_760 = vector.shape_cast %add3A_754 : vector<16xf32> to vector<1x16xf32>
    tpu.vector_store %arg7[%swap3A_756, %swap3A_757], %swap3A_760 {strides = array<i32>} : memref<4x128xf32, #tpu.memory_space<vmem>>, vector<1x16xf32>,
    %get3A_761 = arith.constant 128 : index
    %get3A_762 = tpu.vector_load %arg8[%get3A_761] {strides = array<i32>} : memref<512xf32, #tpu.memory_space<vmem>>, vector<16xf32>,
    %get3A_763 = vector.shape_cast %get3A_762 : vector<16xf32> to vector<16xf32>
    %get3A_764 = arith.constant 1 : i32
    %get3A_765 = arith.index_cast %get3A_764 : i32 to index
    %get3A_766 = arith.constant 0 : index
    %get3A_767 = tpu.vector_load %arg7[%get3A_765, %get3A_766] {strides = array<i32>} : memref<4x128xf32, #tpu.memory_space<vmem>>, vector<1x16xf32>,
    %get3A_768 = vector.shape_cast %get3A_767 : vector<1x16xf32> to vector<16xf32>
    %exp3A_769 = math.exp %get3A_763 : vector<16xf32>
    %add3A_770 = arith.addf %get3A_768, %exp3A_769 : vector<16xf32>
    %add3A_771 = arith.addf %add3A_770, %exp3A : vector<16xf32>
    %swap3A_772 = arith.constant 1 : i32
    %swap3A_773 = arith.index_cast %swap3A_772 : i32 to index
    %swap3A_774 = arith.constant 0 : index
    %swap3A_775 = tpu.vector_load %arg7[%swap3A_773, %swap3A_774] {strides = array<i32>} : memref<4x128xf32, #tpu.memory_space<vmem>>, vector<1x16xf32>,
    %swap3A_776 = vector.shape_cast %swap3A_775 : vector<1x16xf32> to vector<16xf32>
    %swap3A_777 = vector.shape_cast %add3A_771 : vector<16xf32> to vector<1x16xf32>
    tpu.vector_store %arg7[%swap3A_773, %swap3A_774], %swap3A_777 {strides = array<i32>} : memref<4x128xf32, #tpu.memory_space<vmem>>, vector<1x16xf32>,
    %get3A_778 = arith.constant 144 : index
    %get3A_779 = tpu.vector_load %arg8[%get3A_778] {strides = array<i32>} : memref<512xf32, #tpu.memory_space<vmem>>, vector<16xf32>,
    %get3A_780 = vector.shape_cast %get3A_779 : vector<16xf32> to vector<16xf32>
    %get3A_781 = arith.constant 1 : i32
    %get3A_782 = arith.index_cast %get3A_781 : i32 to index
    %get3A_783 = arith.constant 16 : index
    %get3A_784 = tpu.vector_load %arg7[%get3A_782, %get3A_783] {strides = array<i32>} : memref<4x128xf32, #tpu.memory_space<vmem>>, vector<1x16xf32>,
    %get3A_785 = vector.shape_cast %get3A_784 : vector<1x16xf32> to vector<16xf32>
    %exp3A_786 = math.exp %get3A_780 : vector<16xf32>
    %add3A_787 = arith.addf %get3A_785, %exp3A_786 : vector<16xf32>
    %add3A_788 = arith.addf %add3A_787, %exp3A : vector<16xf32>
    %swap3A_789 = arith.constant 1 : i32
    %swap3A_790 = arith.index_cast %swap3A_789 : i32 to index
    %swap3A_791 = arith.constant 16 : index
    %swap3A_792 = tpu.vector_load %arg7[%swap3A_790, %swap3A_791] {strides = array<i32>} : memref<4x128xf32, #tpu.memory_space<vmem>>, vector<1x16xf32>,
    %swap3A_793 = vector.shape_cast %swap3A_792 : vector<1x16xf32> to vector<16xf32>
    %swap3A_794 = vector.shape_cast %add3A_788 : vector<16xf32> to vector<1x16xf32>
    tpu.vector_store %arg7[%swap3A_790, %swap3A_791], %swap3A_794 {strides = array<i32>} : memref<4x128xf32, #tpu.memory_space<vmem>>, vector<1x16xf32>,
    %get3A_795 = arith.constant 160 : index
    %get3A_796 = tpu.vector_load %arg8[%get3A_795] {strides = array<i32>} : memref<512xf32, #tpu.memory_space<vmem>>, vector<16xf32>,
    %get3A_797 = vector.shape_cast %get3A_796 : vector<16xf32> to vector<16xf32>
    %get3A_798 = arith.constant 1 : i32
    %get3A_799 = arith.index_cast %get3A_798 : i32 to index
    %get3A_800 = arith.constant 32 : index
    %get3A_801 = tpu.vector_load %arg7[%get3A_799, %get3A_800] {strides = array<i32>} : memref<4x128xf32, #tpu.memory_space<vmem>>, vector<1x16xf32>,
    %get3A_802 = vector.shape_cast %get3A_801 : vector<1x16xf32> to vector<16xf32>
    %exp3A_803 = math.exp %get3A_797 : vector<16xf32>
    %add3A_804 = arith.addf %get3A_802, %exp3A_803 : vector<16xf32>
    %add3A_805 = arith.addf %add3A_804, %exp3A : vector<16xf32>
    %swap3A_806 = arith.constant 1 : i32
    %swap3A_807 = arith.index_cast %swap3A_806 : i32 to index
    %swap3A_808 = arith.constant 32 : index
    %swap3A_809 = tpu.vector_load %arg7[%swap3A_807, %swap3A_808] {strides = array<i32>} : memref<4x128xf32, #tpu.memory_space<vmem>>, vector<1x16xf32>,
    %swap3A_810 = vector.shape_cast %swap3A_809 : vector<1x16xf32> to vector<16xf32>
    %swap3A_811 = vector.shape_cast %add3A_805 : vector<16xf32> to vector<1x16xf32>
    tpu.vector_store %arg7[%swap3A_807, %swap3A_808], %swap3A_811 {strides = array<i32>} : memref<4x128xf32, #tpu.memory_space<vmem>>, vector<1x16xf32>,
    %get3A_812 = arith.constant 176 : index
    %get3A_813 = tpu.vector_load %arg8[%get3A_812] {strides = array<i32>} : memref<512xf32, #tpu.memory_space<vmem>>, vector<16xf32>,
    %get3A_814 = vector.shape_cast %get3A_813 : vector<16xf32> to vector<16xf32>
    %get3A_815 = arith.constant 1 : i32
    %get3A_816 = arith.index_cast %get3A_815 : i32 to index
    %get3A_817 = arith.constant 48 : index
    %get3A_818 = tpu.vector_load %arg7[%get3A_816, %get3A_817] {strides = array<i32>} : memref<4x128xf32, #tpu.memory_space<vmem>>, vector<1x16xf32>,
    %get3A_819 = vector.shape_cast %get3A_818 : vector<1x16xf32> to vector<16xf32>
    %exp3A_820 = math.exp %get3A_814 : vector<16xf32>
    %add3A_821 = arith.addf %get3A_819, %exp3A_820 : vector<16xf32>
    %add3A_822 = arith.addf %add3A_821, %exp3A : vector<16xf32>
    %swap3A_823 = arith.constant 1 : i32
    %swap3A_824 = arith.index_cast %swap3A_823 : i32 to index
    %swap3A_825 = arith.constant 48 : index
    %swap3A_826 = tpu.vector_load %arg7[%swap3A_824, %swap3A_825] {strides = array<i32>} : memref<4x128xf32, #tpu.memory_space<vmem>>, vector<1x16xf32>,
    %swap3A_827 = vector.shape_cast %swap3A_826 : vector<1x16xf32> to vector<16xf32>
    %swap3A_828 = vector.shape_cast %add3A_822 : vector<16xf32> to vector<1x16xf32>
    tpu.vector_store %arg7[%swap3A_824, %swap3A_825], %swap3A_828 {strides = array<i32>} : memref<4x128xf32, #tpu.memory_space<vmem>>, vector<1x16xf32>,
    %get3A_829 = arith.constant 192 : index
    %get3A_830 = tpu.vector_load %arg8[%get3A_829] {strides = array<i32>} : memref<512xf32, #tpu.memory_space<vmem>>, vector<16xf32>,
    %get3A_831 = vector.shape_cast %get3A_830 : vector<16xf32> to vector<16xf32>
    %get3A_832 = arith.constant 1 : i32
    %get3A_833 = arith.index_cast %get3A_832 : i32 to index
    %get3A_834 = arith.constant 64 : index
    %get3A_835 = tpu.vector_load %arg7[%get3A_833, %get3A_834] {strides = array<i32>} : memref<4x128xf32, #tpu.memory_space<vmem>>, vector<1x16xf32>,
    %get3A_836 = vector.shape_cast %get3A_835 : vector<1x16xf32> to vector<16xf32>
    %exp3A_837 = math.exp %get3A_831 : vector<16xf32>
    %add3A_838 = arith.addf %get3A_836, %exp3A_837 : vector<16xf32>
    %add3A_839 = arith.addf %add3A_838, %exp3A : vector<16xf32>
    %swap3A_840 = arith.constant 1 : i32
    %swap3A_841 = arith.index_cast %swap3A_840 : i32 to index
    %swap3A_842 = arith.constant 64 : index
    %swap3A_843 = tpu.vector_load %arg7[%swap3A_841, %swap3A_842] {strides = array<i32>} : memref<4x128xf32, #tpu.memory_space<vmem>>, vector<1x16xf32>,
    %swap3A_844 = vector.shape_cast %swap3A_843 : vector<1x16xf32> to vector<16xf32>
    %swap3A_845 = vector.shape_cast %add3A_839 : vector<16xf32> to vector<1x16xf32>
    tpu.vector_store %arg7[%swap3A_841, %swap3A_842], %swap3A_845 {strides = array<i32>} : memref<4x128xf32, #tpu.memory_space<vmem>>, vector<1x16xf32>,
    %get3A_846 = arith.constant 208 : index
    %get3A_847 = tpu.vector_load %arg8[%get3A_846] {strides = array<i32>} : memref<512xf32, #tpu.memory_space<vmem>>, vector<16xf32>,
    %get3A_848 = vector.shape_cast %get3A_847 : vector<16xf32> to vector<16xf32>
    %get3A_849 = arith.constant 1 : i32
    %get3A_850 = arith.index_cast %get3A_849 : i32 to index
    %get3A_851 = arith.constant 80 : index
    %get3A_852 = tpu.vector_load %arg7[%get3A_850, %get3A_851] {strides = array<i32>} : memref<4x128xf32, #tpu.memory_space<vmem>>, vector<1x16xf32>,
    %get3A_853 = vector.shape_cast %get3A_852 : vector<1x16xf32> to vector<16xf32>
    %exp3A_854 = math.exp %get3A_848 : vector<16xf32>
    %add3A_855 = arith.addf %get3A_853, %exp3A_854 : vector<16xf32>
    %add3A_856 = arith.addf %add3A_855, %exp3A : vector<16xf32>
    %swap3A_857 = arith.constant 1 : i32
    %swap3A_858 = arith.index_cast %swap3A_857 : i32 to index
    %swap3A_859 = arith.constant 80 : index
    %swap3A_860 = tpu.vector_load %arg7[%swap3A_858, %swap3A_859] {strides = array<i32>} : memref<4x128xf32, #tpu.memory_space<vmem>>, vector<1x16xf32>,
    %swap3A_861 = vector.shape_cast %swap3A_860 : vector<1x16xf32> to vector<16xf32>
    %swap3A_862 = vector.shape_cast %add3A_856 : vector<16xf32> to vector<1x16xf32>
    tpu.vector_store %arg7[%swap3A_858, %swap3A_859], %swap3A_862 {strides = array<i32>} : memref<4x128xf32, #tpu.memory_space<vmem>>, vector<1x16xf32>,
    %get3A_863 = arith.constant 224 : index
    %get3A_864 = tpu.vector_load %arg8[%get3A_863] {strides = array<i32>} : memref<512xf32, #tpu.memory_space<vmem>>, vector<16xf32>,
    %get3A_865 = vector.shape_cast %get3A_864 : vector<16xf32> to vector<16xf32>
    %get3A_866 = arith.constant 1 : i32
    %get3A_867 = arith.index_cast %get3A_866 : i32 to index
    %get3A_868 = arith.constant 96 : index
    %get3A_869 = tpu.vector_load %arg7[%get3A_867, %get3A_868] {strides = array<i32>} : memref<4x128xf32, #tpu.memory_space<vmem>>, vector<1x16xf32>,
    %get3A_870 = vector.shape_cast %get3A_869 : vector<1x16xf32> to vector<16xf32>
    %exp3A_871 = math.exp %get3A_865 : vector<16xf32>
    %add3A_872 = arith.addf %get3A_870, %exp3A_871 : vector<16xf32>
    %add3A_873 = arith.addf %add3A_872, %exp3A : vector<16xf32>
    %swap3A_874 = arith.constant 1 : i32
    %swap3A_875 = arith.index_cast %swap3A_874 : i32 to index
    %swap3A_876 = arith.constant 96 : index
    %swap3A_877 = tpu.vector_load %arg7[%swap3A_875, %swap3A_876] {strides = array<i32>} : memref<4x128xf32, #tpu.memory_space<vmem>>, vector<1x16xf32>,
    %swap3A_878 = vector.shape_cast %swap3A_877 : vector<1x16xf32> to vector<16xf32>
    %swap3A_879 = vector.shape_cast %add3A_873 : vector<16xf32> to vector<1x16xf32>
    tpu.vector_store %arg7[%swap3A_875, %swap3A_876], %swap3A_879 {strides = array<i32>} : memref<4x128xf32, #tpu.memory_space<vmem>>, vector<1x16xf32>,
    %get3A_880 = arith.constant 240 : index
    %get3A_881 = tpu.vector_load %arg8[%get3A_880] {strides = array<i32>} : memref<512xf32, #tpu.memory_space<vmem>>, vector<16xf32>,
    %get3A_882 = vector.shape_cast %get3A_881 : vector<16xf32> to vector<16xf32>
    %get3A_883 = arith.constant 1 : i32
    %get3A_884 = arith.index_cast %get3A_883 : i32 to index
    %get3A_885 = arith.constant 112 : index
    %get3A_886 = tpu.vector_load %arg7[%get3A_884, %get3A_885] {strides = array<i32>} : memref<4x128xf32, #tpu.memory_space<vmem>>, vector<1x16xf32>,
    %get3A_887 = vector.shape_cast %get3A_886 : vector<1x16xf32> to vector<16xf32>
    %exp3A_888 = math.exp %get3A_882 : vector<16xf32>
    %add3A_889 = arith.addf %get3A_887, %exp3A_888 : vector<16xf32>
    %add3A_890 = arith.addf %add3A_889, %exp3A : vector<16xf32>
    %swap3A_891 = arith.constant 1 : i32
    %swap3A_892 = arith.index_cast %swap3A_891 : i32 to index
    %swap3A_893 = arith.constant 112 : index
    %swap3A_894 = tpu.vector_load %arg7[%swap3A_892, %swap3A_893] {strides = array<i32>} : memref<4x128xf32, #tpu.memory_space<vmem>>, vector<1x16xf32>,
    %swap3A_895 = vector.shape_cast %swap3A_894 : vector<1x16xf32> to vector<16xf32>
    %swap3A_896 = vector.shape_cast %add3A_890 : vector<16xf32> to vector<1x16xf32>
    tpu.vector_store %arg7[%swap3A_892, %swap3A_893], %swap3A_896 {strides = array<i32>} : memref<4x128xf32, #tpu.memory_space<vmem>>, vector<1x16xf32>,
    %get3A_897 = arith.constant 256 : index
    %get3A_898 = tpu.vector_load %arg8[%get3A_897] {strides = array<i32>} : memref<512xf32, #tpu.memory_space<vmem>>, vector<16xf32>,
    %get3A_899 = vector.shape_cast %get3A_898 : vector<16xf32> to vector<16xf32>
    %get3A_900 = arith.constant 2 : i32
    %get3A_901 = arith.index_cast %get3A_900 : i32 to index
    %get3A_902 = arith.constant 0 : index
    %get3A_903 = tpu.vector_load %arg7[%get3A_901, %get3A_902] {strides = array<i32>} : memref<4x128xf32, #tpu.memory_space<vmem>>, vector<1x16xf32>,
    %get3A_904 = vector.shape_cast %get3A_903 : vector<1x16xf32> to vector<16xf32>
    %exp3A_905 = math.exp %get3A_899 : vector<16xf32>
    %add3A_906 = arith.addf %get3A_904, %exp3A_905 : vector<16xf32>
    %add3A_907 = arith.addf %add3A_906, %exp3A : vector<16xf32>
    %swap3A_908 = arith.constant 2 : i32
    %swap3A_909 = arith.index_cast %swap3A_908 : i32 to index
    %swap3A_910 = arith.constant 0 : index
    %swap3A_911 = tpu.vector_load %arg7[%swap3A_909, %swap3A_910] {strides = array<i32>} : memref<4x128xf32, #tpu.memory_space<vmem>>, vector<1x16xf32>,
    %swap3A_912 = vector.shape_cast %swap3A_911 : vector<1x16xf32> to vector<16xf32>
    %swap3A_913 = vector.shape_cast %add3A_907 : vector<16xf32> to vector<1x16xf32>
    tpu.vector_store %arg7[%swap3A_909, %swap3A_910], %swap3A_913 {strides = array<i32>} : memref<4x128xf32, #tpu.memory_space<vmem>>, vector<1x16xf32>,
    %get3A_914 = arith.constant 272 : index
    %get3A_915 = tpu.vector_load %arg8[%get3A_914] {strides = array<i32>} : memref<512xf32, #tpu.memory_space<vmem>>, vector<16xf32>,
    %get3A_916 = vector.shape_cast %get3A_915 : vector<16xf32> to vector<16xf32>
    %get3A_917 = arith.constant 2 : i32
    %get3A_918 = arith.index_cast %get3A_917 : i32 to index
    %get3A_919 = arith.constant 16 : index
    %get3A_920 = tpu.vector_load %arg7[%get3A_918, %get3A_919] {strides = array<i32>} : memref<4x128xf32, #tpu.memory_space<vmem>>, vector<1x16xf32>,
    %get3A_921 = vector.shape_cast %get3A_920 : vector<1x16xf32> to vector<16xf32>
    %exp3A_922 = math.exp %get3A_916 : vector<16xf32>
    %add3A_923 = arith.addf %get3A_921, %exp3A_922 : vector<16xf32>
    %add3A_924 = arith.addf %add3A_923, %exp3A : vector<16xf32>
    %swap3A_925 = arith.constant 2 : i32
    %swap3A_926 = arith.index_cast %swap3A_925 : i32 to index
    %swap3A_927 = arith.constant 16 : index
    %swap3A_928 = tpu.vector_load %arg7[%swap3A_926, %swap3A_927] {strides = array<i32>} : memref<4x128xf32, #tpu.memory_space<vmem>>, vector<1x16xf32>,
    %swap3A_929 = vector.shape_cast %swap3A_928 : vector<1x16xf32> to vector<16xf32>
    %swap3A_930 = vector.shape_cast %add3A_924 : vector<16xf32> to vector<1x16xf32>
    tpu.vector_store %arg7[%swap3A_926, %swap3A_927], %swap3A_930 {strides = array<i32>} : memref<4x128xf32, #tpu.memory_space<vmem>>, vector<1x16xf32>,
    %get3A_931 = arith.constant 288 : index
    %get3A_932 = tpu.vector_load %arg8[%get3A_931] {strides = array<i32>} : memref<512xf32, #tpu.memory_space<vmem>>, vector<16xf32>,
    %get3A_933 = vector.shape_cast %get3A_932 : vector<16xf32> to vector<16xf32>
    %get3A_934 = arith.constant 2 : i32
    %get3A_935 = arith.index_cast %get3A_934 : i32 to index
    %get3A_936 = arith.constant 32 : index
    %get3A_937 = tpu.vector_load %arg7[%get3A_935, %get3A_936] {strides = array<i32>} : memref<4x128xf32, #tpu.memory_space<vmem>>, vector<1x16xf32>,
    %get3A_938 = vector.shape_cast %get3A_937 : vector<1x16xf32> to vector<16xf32>
    %exp3A_939 = math.exp %get3A_933 : vector<16xf32>
    %add3A_940 = arith.addf %get3A_938, %exp3A_939 : vector<16xf32>
    %add3A_941 = arith.addf %add3A_940, %exp3A : vector<16xf32>
    %swap3A_942 = arith.constant 2 : i32
    %swap3A_943 = arith.index_cast %swap3A_942 : i32 to index
    %swap3A_944 = arith.constant 32 : index
    %swap3A_945 = tpu.vector_load %arg7[%swap3A_943, %swap3A_944] {strides = array<i32>} : memref<4x128xf32, #tpu.memory_space<vmem>>, vector<1x16xf32>,
    %swap3A_946 = vector.shape_cast %swap3A_945 : vector<1x16xf32> to vector<16xf32>
    %swap3A_947 = vector.shape_cast %add3A_941 : vector<16xf32> to vector<1x16xf32>
    tpu.vector_store %arg7[%swap3A_943, %swap3A_944], %swap3A_947 {strides = array<i32>} : memref<4x128xf32, #tpu.memory_space<vmem>>, vector<1x16xf32>,
    %get3A_948 = arith.constant 304 : index
    %get3A_949 = tpu.vector_load %arg8[%get3A_948] {strides = array<i32>} : memref<512xf32, #tpu.memory_space<vmem>>, vector<16xf32>,
    %get3A_950 = vector.shape_cast %get3A_949 : vector<16xf32> to vector<16xf32>
    %get3A_951 = arith.constant 2 : i32
    %get3A_952 = arith.index_cast %get3A_951 : i32 to index
    %get3A_953 = arith.constant 48 : index
    %get3A_954 = tpu.vector_load %arg7[%get3A_952, %get3A_953] {strides = array<i32>} : memref<4x128xf32, #tpu.memory_space<vmem>>, vector<1x16xf32>,
    %get3A_955 = vector.shape_cast %get3A_954 : vector<1x16xf32> to vector<16xf32>
    %exp3A_956 = math.exp %get3A_950 : vector<16xf32>
    %add3A_957 = arith.addf %get3A_955, %exp3A_956 : vector<16xf32>
    %add3A_958 = arith.addf %add3A_957, %exp3A : vector<16xf32>
    %swap3A_959 = arith.constant 2 : i32
    %swap3A_960 = arith.index_cast %swap3A_959 : i32 to index
    %swap3A_961 = arith.constant 48 : index
    %swap3A_962 = tpu.vector_load %arg7[%swap3A_960, %swap3A_961] {strides = array<i32>} : memref<4x128xf32, #tpu.memory_space<vmem>>, vector<1x16xf32>,
    %swap3A_963 = vector.shape_cast %swap3A_962 : vector<1x16xf32> to vector<16xf32>
    %swap3A_964 = vector.shape_cast %add3A_958 : vector<16xf32> to vector<1x16xf32>
    tpu.vector_store %arg7[%swap3A_960, %swap3A_961], %swap3A_964 {strides = array<i32>} : memref<4x128xf32, #tpu.memory_space<vmem>>, vector<1x16xf32>,
    %get3A_965 = arith.constant 320 : index
    %get3A_966 = tpu.vector_load %arg8[%get3A_965] {strides = array<i32>} : memref<512xf32, #tpu.memory_space<vmem>>, vector<16xf32>,
    %get3A_967 = vector.shape_cast %get3A_966 : vector<16xf32> to vector<16xf32>
    %get3A_968 = arith.constant 2 : i32
    %get3A_969 = arith.index_cast %get3A_968 : i32 to index
    %get3A_970 = arith.constant 64 : index
    %get3A_971 = tpu.vector_load %arg7[%get3A_969, %get3A_970] {strides = array<i32>} : memref<4x128xf32, #tpu.memory_space<vmem>>, vector<1x16xf32>,
    %get3A_972 = vector.shape_cast %get3A_971 : vector<1x16xf32> to vector<16xf32>
    %exp3A_973 = math.exp %get3A_967 : vector<16xf32>
    %add3A_974 = arith.addf %get3A_972, %exp3A_973 : vector<16xf32>
    %add3A_975 = arith.addf %add3A_974, %exp3A : vector<16xf32>
    %swap3A_976 = arith.constant 2 : i32
    %swap3A_977 = arith.index_cast %swap3A_976 : i32 to index
    %swap3A_978 = arith.constant 64 : index
    %swap3A_979 = tpu.vector_load %arg7[%swap3A_977, %swap3A_978] {strides = array<i32>} : memref<4x128xf32, #tpu.memory_space<vmem>>, vector<1x16xf32>,
    %swap3A_980 = vector.shape_cast %swap3A_979 : vector<1x16xf32> to vector<16xf32>
    %swap3A_981 = vector.shape_cast %add3A_975 : vector<16xf32> to vector<1x16xf32>
    tpu.vector_store %arg7[%swap3A_977, %swap3A_978], %swap3A_981 {strides = array<i32>} : memref<4x128xf32, #tpu.memory_space<vmem>>, vector<1x16xf32>,
    %get3A_982 = arith.constant 336 : index
    %get3A_983 = tpu.vector_load %arg8[%get3A_982] {strides = array<i32>} : memref<512xf32, #tpu.memory_space<vmem>>, vector<16xf32>,
    %get3A_984 = vector.shape_cast %get3A_983 : vector<16xf32> to vector<16xf32>
    %get3A_985 = arith.constant 2 : i32
    %get3A_986 = arith.index_cast %get3A_985 : i32 to index
    %get3A_987 = arith.constant 80 : index
    %get3A_988 = tpu.vector_load %arg7[%get3A_986, %get3A_987] {strides = array<i32>} : memref<4x128xf32, #tpu.memory_space<vmem>>, vector<1x16xf32>,
    %get3A_989 = vector.shape_cast %get3A_988 : vector<1x16xf32> to vector<16xf32>
    %exp3A_990 = math.exp %get3A_984 : vector<16xf32>
    %add3A_991 = arith.addf %get3A_989, %exp3A_990 : vector<16xf32>
    %add3A_992 = arith.addf %add3A_991, %exp3A : vector<16xf32>
    %swap3A_993 = arith.constant 2 : i32
    %swap3A_994 = arith.index_cast %swap3A_993 : i32 to index
    %swap3A_995 = arith.constant 80 : index
    %swap3A_996 = tpu.vector_load %arg7[%swap3A_994, %swap3A_995] {strides = array<i32>} : memref<4x128xf32, #tpu.memory_space<vmem>>, vector<1x16xf32>,
    %swap3A_997 = vector.shape_cast %swap3A_996 : vector<1x16xf32> to vector<16xf32>
    %swap3A_998 = vector.shape_cast %add3A_992 : vector<16xf32> to vector<1x16xf32>
    tpu.vector_store %arg7[%swap3A_994, %swap3A_995], %swap3A_998 {strides = array<i32>} : memref<4x128xf32, #tpu.memory_space<vmem>>, vector<1x16xf32>,
    %get3A_999 = arith.constant 352 : index
    %get3A_1000 = tpu.vector_load %arg8[%get3A_999] {strides = array<i32>} : memref<512xf32, #tpu.memory_space<vmem>>, vector<16xf32>,
    %get3A_1001 = vector.shape_cast %get3A_1000 : vector<16xf32> to vector<16xf32>
    %get3A_1002 = arith.constant 2 : i32
    %get3A_1003 = arith.index_cast %get3A_1002 : i32 to index
    %get3A_1004 = arith.constant 96 : index
    %get3A_1005 = tpu.vector_load %arg7[%get3A_1003, %get3A_1004] {strides = array<i32>} : memref<4x128xf32, #tpu.memory_space<vmem>>, vector<1x16xf32>,
    %get3A_1006 = vector.shape_cast %get3A_1005 : vector<1x16xf32> to vector<16xf32>
    %exp3A_1007 = math.exp %get3A_1001 : vector<16xf32>
    %add3A_1008 = arith.addf %get3A_1006, %exp3A_1007 : vector<16xf32>
    %add3A_1009 = arith.addf %add3A_1008, %exp3A : vector<16xf32>
    %swap3A_1010 = arith.constant 2 : i32
    %swap3A_1011 = arith.index_cast %swap3A_1010 : i32 to index
    %swap3A_1012 = arith.constant 96 : index
    %swap3A_1013 = tpu.vector_load %arg7[%swap3A_1011, %swap3A_1012] {strides = array<i32>} : memref<4x128xf32, #tpu.memory_space<vmem>>, vector<1x16xf32>,
    %swap3A_1014 = vector.shape_cast %swap3A_1013 : vector<1x16xf32> to vector<16xf32>
    %swap3A_1015 = vector.shape_cast %add3A_1009 : vector<16xf32> to vector<1x16xf32>
    tpu.vector_store %arg7[%swap3A_1011, %swap3A_1012], %swap3A_1015 {strides = array<i32>} : memref<4x128xf32, #tpu.memory_space<vmem>>, vector<1x16xf32>,
    %get3A_1016 = arith.constant 368 : index
    %get3A_1017 = tpu.vector_load %arg8[%get3A_1016] {strides = array<i32>} : memref<512xf32, #tpu.memory_space<vmem>>, vector<16xf32>,
    %get3A_1018 = vector.shape_cast %get3A_1017 : vector<16xf32> to vector<16xf32>
    %get3A_1019 = arith.constant 2 : i32
    %get3A_1020 = arith.index_cast %get3A_1019 : i32 to index
    %get3A_1021 = arith.constant 112 : index
    %get3A_1022 = tpu.vector_load %arg7[%get3A_1020, %get3A_1021] {strides = array<i32>} : memref<4x128xf32, #tpu.memory_space<vmem>>, vector<1x16xf32>,
    %get3A_1023 = vector.shape_cast %get3A_1022 : vector<1x16xf32> to vector<16xf32>
    %exp3A_1024 = math.exp %get3A_1018 : vector<16xf32>
    %add3A_1025 = arith.addf %get3A_1023, %exp3A_1024 : vector<16xf32>
    %add3A_1026 = arith.addf %add3A_1025, %exp3A : vector<16xf32>
    %swap3A_1027 = arith.constant 2 : i32
    %swap3A_1028 = arith.index_cast %swap3A_1027 : i32 to index
    %swap3A_1029 = arith.constant 112 : index
    %swap3A_1030 = tpu.vector_load %arg7[%swap3A_1028, %swap3A_1029] {strides = array<i32>} : memref<4x128xf32, #tpu.memory_space<vmem>>, vector<1x16xf32>,
    %swap3A_1031 = vector.shape_cast %swap3A_1030 : vector<1x16xf32> to vector<16xf32>
    %swap3A_1032 = vector.shape_cast %add3A_1026 : vector<16xf32> to vector<1x16xf32>
    tpu.vector_store %arg7[%swap3A_1028, %swap3A_1029], %swap3A_1032 {strides = array<i32>} : memref<4x128xf32, #tpu.memory_space<vmem>>, vector<1x16xf32>,
    %get3A_1033 = arith.constant 384 : index
    %get3A_1034 = tpu.vector_load %arg8[%get3A_1033] {strides = array<i32>} : memref<512xf32, #tpu.memory_space<vmem>>, vector<16xf32>,
    %get3A_1035 = vector.shape_cast %get3A_1034 : vector<16xf32> to vector<16xf32>
    %get3A_1036 = arith.constant 3 : i32
    %get3A_1037 = arith.index_cast %get3A_1036 : i32 to index
    %get3A_1038 = arith.constant 0 : index
    %get3A_1039 = tpu.vector_load %arg7[%get3A_1037, %get3A_1038] {strides = array<i32>} : memref<4x128xf32, #tpu.memory_space<vmem>>, vector<1x16xf32>,
    %get3A_1040 = vector.shape_cast %get3A_1039 : vector<1x16xf32> to vector<16xf32>
    %exp3A_1041 = math.exp %get3A_1035 : vector<16xf32>
    %add3A_1042 = arith.addf %get3A_1040, %exp3A_1041 : vector<16xf32>
    %add3A_1043 = arith.addf %add3A_1042, %exp3A : vector<16xf32>
    %swap3A_1044 = arith.constant 3 : i32
    %swap3A_1045 = arith.index_cast %swap3A_1044 : i32 to index
    %swap3A_1046 = arith.constant 0 : index
    %swap3A_1047 = tpu.vector_load %arg7[%swap3A_1045, %swap3A_1046] {strides = array<i32>} : memref<4x128xf32, #tpu.memory_space<vmem>>, vector<1x16xf32>,
    %swap3A_1048 = vector.shape_cast %swap3A_1047 : vector<1x16xf32> to vector<16xf32>
    %swap3A_1049 = vector.shape_cast %add3A_1043 : vector<16xf32> to vector<1x16xf32>
    tpu.vector_store %arg7[%swap3A_1045, %swap3A_1046], %swap3A_1049 {strides = array<i32>} : memref<4x128xf32, #tpu.memory_space<vmem>>, vector<1x16xf32>,
    %get3A_1050 = arith.constant 400 : index
    %get3A_1051 = tpu.vector_load %arg8[%get3A_1050] {strides = array<i32>} : memref<512xf32, #tpu.memory_space<vmem>>, vector<16xf32>,
    %get3A_1052 = vector.shape_cast %get3A_1051 : vector<16xf32> to vector<16xf32>
    %get3A_1053 = arith.constant 3 : i32
    %get3A_1054 = arith.index_cast %get3A_1053 : i32 to index
    %get3A_1055 = arith.constant 16 : index
    %get3A_1056 = tpu.vector_load %arg7[%get3A_1054, %get3A_1055] {strides = array<i32>} : memref<4x128xf32, #tpu.memory_space<vmem>>, vector<1x16xf32>,
    %get3A_1057 = vector.shape_cast %get3A_1056 : vector<1x16xf32> to vector<16xf32>
    %exp3A_1058 = math.exp %get3A_1052 : vector<16xf32>
    %add3A_1059 = arith.addf %get3A_1057, %exp3A_1058 : vector<16xf32>
    %add3A_1060 = arith.addf %add3A_1059, %exp3A : vector<16xf32>
    %swap3A_1061 = arith.constant 3 : i32
    %swap3A_1062 = arith.index_cast %swap3A_1061 : i32 to index
    %swap3A_1063 = arith.constant 16 : index
    %swap3A_1064 = tpu.vector_load %arg7[%swap3A_1062, %swap3A_1063] {strides = array<i32>} : memref<4x128xf32, #tpu.memory_space<vmem>>, vector<1x16xf32>,
    %swap3A_1065 = vector.shape_cast %swap3A_1064 : vector<1x16xf32> to vector<16xf32>
    %swap3A_1066 = vector.shape_cast %add3A_1060 : vector<16xf32> to vector<1x16xf32>
    tpu.vector_store %arg7[%swap3A_1062, %swap3A_1063], %swap3A_1066 {strides = array<i32>} : memref<4x128xf32, #tpu.memory_space<vmem>>, vector<1x16xf32>,
    %get3A_1067 = arith.constant 416 : index
    %get3A_1068 = tpu.vector_load %arg8[%get3A_1067] {strides = array<i32>} : memref<512xf32, #tpu.memory_space<vmem>>, vector<16xf32>,
    %get3A_1069 = vector.shape_cast %get3A_1068 : vector<16xf32> to vector<16xf32>
    %get3A_1070 = arith.constant 3 : i32
    %get3A_1071 = arith.index_cast %get3A_1070 : i32 to index
    %get3A_1072 = arith.constant 32 : index
    %get3A_1073 = tpu.vector_load %arg7[%get3A_1071, %get3A_1072] {strides = array<i32>} : memref<4x128xf32, #tpu.memory_space<vmem>>, vector<1x16xf32>,
    %get3A_1074 = vector.shape_cast %get3A_1073 : vector<1x16xf32> to vector<16xf32>
    %exp3A_1075 = math.exp %get3A_1069 : vector<16xf32>
    %add3A_1076 = arith.addf %get3A_1074, %exp3A_1075 : vector<16xf32>
    %add3A_1077 = arith.addf %add3A_1076, %exp3A : vector<16xf32>
    %swap3A_1078 = arith.constant 3 : i32
    %swap3A_1079 = arith.index_cast %swap3A_1078 : i32 to index
    %swap3A_1080 = arith.constant 32 : index
    %swap3A_1081 = tpu.vector_load %arg7[%swap3A_1079, %swap3A_1080] {strides = array<i32>} : memref<4x128xf32, #tpu.memory_space<vmem>>, vector<1x16xf32>,
    %swap3A_1082 = vector.shape_cast %swap3A_1081 : vector<1x16xf32> to vector<16xf32>
    %swap3A_1083 = vector.shape_cast %add3A_1077 : vector<16xf32> to vector<1x16xf32>
    tpu.vector_store %arg7[%swap3A_1079, %swap3A_1080], %swap3A_1083 {strides = array<i32>} : memref<4x128xf32, #tpu.memory_space<vmem>>, vector<1x16xf32>,
    %get3A_1084 = arith.constant 432 : index
    %get3A_1085 = tpu.vector_load %arg8[%get3A_1084] {strides = array<i32>} : memref<512xf32, #tpu.memory_space<vmem>>, vector<16xf32>,
    %get3A_1086 = vector.shape_cast %get3A_1085 : vector<16xf32> to vector<16xf32>
    %get3A_1087 = arith.constant 3 : i32
    %get3A_1088 = arith.index_cast %get3A_1087 : i32 to index
    %get3A_1089 = arith.constant 48 : index
    %get3A_1090 = tpu.vector_load %arg7[%get3A_1088, %get3A_1089] {strides = array<i32>} : memref<4x128xf32, #tpu.memory_space<vmem>>, vector<1x16xf32>,
    %get3A_1091 = vector.shape_cast %get3A_1090 : vector<1x16xf32> to vector<16xf32>
    %exp3A_1092 = math.exp %get3A_1086 : vector<16xf32>
    %add3A_1093 = arith.addf %get3A_1091, %exp3A_1092 : vector<16xf32>
    %add3A_1094 = arith.addf %add3A_1093, %exp3A : vector<16xf32>
    %swap3A_1095 = arith.constant 3 : i32
    %swap3A_1096 = arith.index_cast %swap3A_1095 : i32 to index
    %swap3A_1097 = arith.constant 48 : index
    %swap3A_1098 = tpu.vector_load %arg7[%swap3A_1096, %swap3A_1097] {strides = array<i32>} : memref<4x128xf32, #tpu.memory_space<vmem>>, vector<1x16xf32>,
    %swap3A_1099 = vector.shape_cast %swap3A_1098 : vector<1x16xf32> to vector<16xf32>
    %swap3A_1100 = vector.shape_cast %add3A_1094 : vector<16xf32> to vector<1x16xf32>
    tpu.vector_store %arg7[%swap3A_1096, %swap3A_1097], %swap3A_1100 {strides = array<i32>} : memref<4x128xf32, #tpu.memory_space<vmem>>, vector<1x16xf32>,
    %get3A_1101 = arith.constant 448 : index
    %get3A_1102 = tpu.vector_load %arg8[%get3A_1101] {strides = array<i32>} : memref<512xf32, #tpu.memory_space<vmem>>, vector<16xf32>,
    %get3A_1103 = vector.shape_cast %get3A_1102 : vector<16xf32> to vector<16xf32>
    %get3A_1104 = arith.constant 3 : i32
    %get3A_1105 = arith.index_cast %get3A_1104 : i32 to index
    %get3A_1106 = arith.constant 64 : index
    %get3A_1107 = tpu.vector_load %arg7[%get3A_1105, %get3A_1106] {strides = array<i32>} : memref<4x128xf32, #tpu.memory_space<vmem>>, vector<1x16xf32>,
    %get3A_1108 = vector.shape_cast %get3A_1107 : vector<1x16xf32> to vector<16xf32>
    %exp3A_1109 = math.exp %get3A_1103 : vector<16xf32>
    %add3A_1110 = arith.addf %get3A_1108, %exp3A_1109 : vector<16xf32>
    %add3A_1111 = arith.addf %add3A_1110, %exp3A : vector<16xf32>
    %swap3A_1112 = arith.constant 3 : i32
    %swap3A_1113 = arith.index_cast %swap3A_1112 : i32 to index
    %swap3A_1114 = arith.constant 64 : index
    %swap3A_1115 = tpu.vector_load %arg7[%swap3A_1113, %swap3A_1114] {strides = array<i32>} : memref<4x128xf32, #tpu.memory_space<vmem>>, vector<1x16xf32>,
    %swap3A_1116 = vector.shape_cast %swap3A_1115 : vector<1x16xf32> to vector<16xf32>
    %swap3A_1117 = vector.shape_cast %add3A_1111 : vector<16xf32> to vector<1x16xf32>
    tpu.vector_store %arg7[%swap3A_1113, %swap3A_1114], %swap3A_1117 {strides = array<i32>} : memref<4x128xf32, #tpu.memory_space<vmem>>, vector<1x16xf32>,
    %get3A_1118 = arith.constant 464 : index
    %get3A_1119 = tpu.vector_load %arg8[%get3A_1118] {strides = array<i32>} : memref<512xf32, #tpu.memory_space<vmem>>, vector<16xf32>,
    %get3A_1120 = vector.shape_cast %get3A_1119 : vector<16xf32> to vector<16xf32>
    %get3A_1121 = arith.constant 3 : i32
    %get3A_1122 = arith.index_cast %get3A_1121 : i32 to index
    %get3A_1123 = arith.constant 80 : index
    %get3A_1124 = tpu.vector_load %arg7[%get3A_1122, %get3A_1123] {strides = array<i32>} : memref<4x128xf32, #tpu.memory_space<vmem>>, vector<1x16xf32>,
    %get3A_1125 = vector.shape_cast %get3A_1124 : vector<1x16xf32> to vector<16xf32>
    %exp3A_1126 = math.exp %get3A_1120 : vector<16xf32>
    %add3A_1127 = arith.addf %get3A_1125, %exp3A_1126 : vector<16xf32>
    %add3A_1128 = arith.addf %add3A_1127, %exp3A : vector<16xf32>
    %swap3A_1129 = arith.constant 3 : i32
    %swap3A_1130 = arith.index_cast %swap3A_1129 : i32 to index
    %swap3A_1131 = arith.constant 80 : index
    %swap3A_1132 = tpu.vector_load %arg7[%swap3A_1130, %swap3A_1131] {strides = array<i32>} : memref<4x128xf32, #tpu.memory_space<vmem>>, vector<1x16xf32>,
    %swap3A_1133 = vector.shape_cast %swap3A_1132 : vector<1x16xf32> to vector<16xf32>
    %swap3A_1134 = vector.shape_cast %add3A_1128 : vector<16xf32> to vector<1x16xf32>
    tpu.vector_store %arg7[%swap3A_1130, %swap3A_1131], %swap3A_1134 {strides = array<i32>} : memref<4x128xf32, #tpu.memory_space<vmem>>, vector<1x16xf32>,
    %get3A_1135 = arith.constant 480 : index
    %get3A_1136 = tpu.vector_load %arg8[%get3A_1135] {strides = array<i32>} : memref<512xf32, #tpu.memory_space<vmem>>, vector<16xf32>,
    %get3A_1137 = vector.shape_cast %get3A_1136 : vector<16xf32> to vector<16xf32>
    %get3A_1138 = arith.constant 3 : i32
    %get3A_1139 = arith.index_cast %get3A_1138 : i32 to index
    %get3A_1140 = arith.constant 96 : index
    %get3A_1141 = tpu.vector_load %arg7[%get3A_1139, %get3A_1140] {strides = array<i32>} : memref<4x128xf32, #tpu.memory_space<vmem>>, vector<1x16xf32>,
    %get3A_1142 = vector.shape_cast %get3A_1141 : vector<1x16xf32> to vector<16xf32>
    %exp3A_1143 = math.exp %get3A_1137 : vector<16xf32>
    %add3A_1144 = arith.addf %get3A_1142, %exp3A_1143 : vector<16xf32>
    %add3A_1145 = arith.addf %add3A_1144, %exp3A : vector<16xf32>
    %swap3A_1146 = arith.constant 3 : i32
    %swap3A_1147 = arith.index_cast %swap3A_1146 : i32 to index
    %swap3A_1148 = arith.constant 96 : index
    %swap3A_1149 = tpu.vector_load %arg7[%swap3A_1147, %swap3A_1148] {strides = array<i32>} : memref<4x128xf32, #tpu.memory_space<vmem>>, vector<1x16xf32>,
    %swap3A_1150 = vector.shape_cast %swap3A_1149 : vector<1x16xf32> to vector<16xf32>
    %swap3A_1151 = vector.shape_cast %add3A_1145 : vector<16xf32> to vector<1x16xf32>
    tpu.vector_store %arg7[%swap3A_1147, %swap3A_1148], %swap3A_1151 {strides = array<i32>} : memref<4x128xf32, #tpu.memory_space<vmem>>, vector<1x16xf32>,
    %get3A_1152 = arith.constant 496 : index
    %get3A_1153 = tpu.vector_load %arg8[%get3A_1152] {strides = array<i32>} : memref<512xf32, #tpu.memory_space<vmem>>, vector<16xf32>,
    %get3A_1154 = vector.shape_cast %get3A_1153 : vector<16xf32> to vector<16xf32>
    %get3A_1155 = arith.constant 3 : i32
    %get3A_1156 = arith.index_cast %get3A_1155 : i32 to index
    %get3A_1157 = arith.constant 112 : index
    %get3A_1158 = tpu.vector_load %arg7[%get3A_1156, %get3A_1157] {strides = array<i32>} : memref<4x128xf32, #tpu.memory_space<vmem>>, vector<1x16xf32>,
    %get3A_1159 = vector.shape_cast %get3A_1158 : vector<1x16xf32> to vector<16xf32>
    %exp3A_1160 = math.exp %get3A_1154 : vector<16xf32>
    %add3A_1161 = arith.addf %get3A_1159, %exp3A_1160 : vector<16xf32>
    %add3A_1162 = arith.addf %add3A_1161, %exp3A : vector<16xf32>
    %swap3A_1163 = arith.constant 3 : i32
    %swap3A_1164 = arith.index_cast %swap3A_1163 : i32 to index
    %swap3A_1165 = arith.constant 112 : index
    %swap3A_1166 = tpu.vector_load %arg7[%swap3A_1164, %swap3A_1165] {strides = array<i32>} : memref<4x128xf32, #tpu.memory_space<vmem>>, vector<1x16xf32>,
    %swap3A_1167 = vector.shape_cast %swap3A_1166 : vector<1x16xf32> to vector<16xf32>
    %swap3A_1168 = vector.shape_cast %add3A_1162 : vector<16xf32> to vector<1x16xf32>
    tpu.vector_store %arg7[%swap3A_1164, %swap3A_1165], %swap3A_1168 {strides = array<i32>} : memref<4x128xf32, #tpu.memory_space<vmem>>, vector<1x16xf32>,
    %dma_start3A_1169 = arith.constant 0 : i32
    %dma_start3A_1170 = arith.constant 0 : i32
    %dma_start3A_1171 = arith.constant 0 : i32
    %dma_start3A_1172 = tpu.memref_slice %arg7[%dma_start3A_1169, %dma_start3A_1171] : memref<4x128xf32, #tpu.memory_space<vmem>> -> memref<1x128xf32, #tpu.memory_space<vmem>>
    %dma_start3A_1173 = tpu.memref_squeeze %dma_start3A_1172 : memref<1x128xf32, #tpu.memory_space<vmem>> -> memref<128xf32, #tpu.memory_space<vmem>>
    %dma_start3A_1174 = arith.constant 0 : i32
    %dma_start3A_1175 = tpu.memref_slice %arg6[%dma_start3A_1170, %dma_start3A_1174] : memref<4x128xi32, #tpu.memory_space<vmem>> -> memref<1x128xi32, #tpu.memory_space<vmem>>
    %dma_start3A_1176 = tpu.memref_squeeze %dma_start3A_1175 : memref<1x128xi32, #tpu.memory_space<vmem>> -> memref<128xi32, #tpu.memory_space<vmem>>
    %dma_start3A_1177 = arith.constant 0 : i32
    %dma_start3A_1178 = tpu.memref_slice %arg4[%dma_start3A_1177] : memref<33554432xf32, #tpu.memory_space<hbm>> -> memref<33554432xf32, #tpu.memory_space<hbm>>
    tpu.enqueue_indirect_dma source(%dma_start3A_1173 : memref<128xf32, #tpu.memory_space<vmem>>) target(%dma_start3A_1178 : memref<33554432xf32, #tpu.memory_space<hbm>>) offsets(%dma_start3A_1176 : memref<128xi32, #tpu.memory_space<vmem>>) semaphore(%arg10 : memref<!tpu.dma_semaphore, #tpu.memory_space<semaphore_mem>>)
    %dma_start3A_1179 = arith.constant 1 : i32
    %dma_start3A_1180 = arith.constant 1 : i32
    %dma_start3A_1181 = arith.constant 0 : i32
    %dma_start3A_1182 = tpu.memref_slice %arg7[%dma_start3A_1179, %dma_start3A_1181] : memref<4x128xf32, #tpu.memory_space<vmem>> -> memref<1x128xf32, #tpu.memory_space<vmem>>
    %dma_start3A_1183 = tpu.memref_squeeze %dma_start3A_1182 : memref<1x128xf32, #tpu.memory_space<vmem>> -> memref<128xf32, #tpu.memory_space<vmem>>
    %dma_start3A_1184 = arith.constant 0 : i32
    %dma_start3A_1185 = tpu.memref_slice %arg6[%dma_start3A_1180, %dma_start3A_1184] : memref<4x128xi32, #tpu.memory_space<vmem>> -> memref<1x128xi32, #tpu.memory_space<vmem>>
    %dma_start3A_1186 = tpu.memref_squeeze %dma_start3A_1185 : memref<1x128xi32, #tpu.memory_space<vmem>> -> memref<128xi32, #tpu.memory_space<vmem>>
    %dma_start3A_1187 = arith.constant 0 : i32
    %dma_start3A_1188 = tpu.memref_slice %arg4[%dma_start3A_1187] : memref<33554432xf32, #tpu.memory_space<hbm>> -> memref<33554432xf32, #tpu.memory_space<hbm>>
    tpu.enqueue_indirect_dma source(%dma_start3A_1183 : memref<128xf32, #tpu.memory_space<vmem>>) target(%dma_start3A_1188 : memref<33554432xf32, #tpu.memory_space<hbm>>) offsets(%dma_start3A_1186 : memref<128xi32, #tpu.memory_space<vmem>>) semaphore(%arg10 : memref<!tpu.dma_semaphore, #tpu.memory_space<semaphore_mem>>)
    %dma_start3A_1189 = arith.constant 2 : i32
    %dma_start3A_1190 = arith.constant 2 : i32
    %dma_start3A_1191 = arith.constant 0 : i32
    %dma_start3A_1192 = tpu.memref_slice %arg7[%dma_start3A_1189, %dma_start3A_1191] : memref<4x128xf32, #tpu.memory_space<vmem>> -> memref<1x128xf32, #tpu.memory_space<vmem>>
    %dma_start3A_1193 = tpu.memref_squeeze %dma_start3A_1192 : memref<1x128xf32, #tpu.memory_space<vmem>> -> memref<128xf32, #tpu.memory_space<vmem>>
    %dma_start3A_1194 = arith.constant 0 : i32
    %dma_start3A_1195 = tpu.memref_slice %arg6[%dma_start3A_1190, %dma_start3A_1194] : memref<4x128xi32, #tpu.memory_space<vmem>> -> memref<1x128xi32, #tpu.memory_space<vmem>>
    %dma_start3A_1196 = tpu.memref_squeeze %dma_start3A_1195 : memref<1x128xi32, #tpu.memory_space<vmem>> -> memref<128xi32, #tpu.memory_space<vmem>>
    %dma_start3A_1197 = arith.constant 0 : i32
    %dma_start3A_1198 = tpu.memref_slice %arg4[%dma_start3A_1197] : memref<33554432xf32, #tpu.memory_space<hbm>> -> memref<33554432xf32, #tpu.memory_space<hbm>>
    tpu.enqueue_indirect_dma source(%dma_start3A_1193 : memref<128xf32, #tpu.memory_space<vmem>>) target(%dma_start3A_1198 : memref<33554432xf32, #tpu.memory_space<hbm>>) offsets(%dma_start3A_1196 : memref<128xi32, #tpu.memory_space<vmem>>) semaphore(%arg10 : memref<!tpu.dma_semaphore, #tpu.memory_space<semaphore_mem>>)
    %dma_start3A_1199 = arith.constant 3 : i32
    %dma_start3A_1200 = arith.constant 3 : i32
    %dma_start3A_1201 = arith.constant 0 : i32
    %dma_start3A_1202 = tpu.memref_slice %arg7[%dma_start3A_1199, %dma_start3A_1201] : memref<4x128xf32, #tpu.memory_space<vmem>> -> memref<1x128xf32, #tpu.memory_space<vmem>>
    %dma_start3A_1203 = tpu.memref_squeeze %dma_start3A_1202 : memref<1x128xf32, #tpu.memory_space<vmem>> -> memref<128xf32, #tpu.memory_space<vmem>>
    %dma_start3A_1204 = arith.constant 0 : i32
    %dma_start3A_1205 = tpu.memref_slice %arg6[%dma_start3A_1200, %dma_start3A_1204] : memref<4x128xi32, #tpu.memory_space<vmem>> -> memref<1x128xi32, #tpu.memory_space<vmem>>
    %dma_start3A_1206 = tpu.memref_squeeze %dma_start3A_1205 : memref<1x128xi32, #tpu.memory_space<vmem>> -> memref<128xi32, #tpu.memory_space<vmem>>
    %dma_start3A_1207 = arith.constant 0 : i32
    %dma_start3A_1208 = tpu.memref_slice %arg4[%dma_start3A_1207] : memref<33554432xf32, #tpu.memory_space<hbm>> -> memref<33554432xf32, #tpu.memory_space<hbm>>
    tpu.enqueue_indirect_dma source(%dma_start3A_1203 : memref<128xf32, #tpu.memory_space<vmem>>) target(%dma_start3A_1208 : memref<33554432xf32, #tpu.memory_space<hbm>>) offsets(%dma_start3A_1206 : memref<128xi32, #tpu.memory_space<vmem>>) semaphore(%arg10 : memref<!tpu.dma_semaphore, #tpu.memory_space<semaphore_mem>>)
    %dma_wait3A_1209 = arith.constant 0 : i32
    %dma_wait3A_1210 = arith.constant 0 : i32
    %dma_wait3A_1211 = arith.constant 0 : i32
    %dma_wait3A_1212 = tpu.memref_slice %arg7[%dma_wait3A_1209, %dma_wait3A_1211] : memref<4x128xf32, #tpu.memory_space<vmem>> -> memref<1x128xf32, #tpu.memory_space<vmem>>
    %dma_wait3A_1213 = tpu.memref_squeeze %dma_wait3A_1212 : memref<1x128xf32, #tpu.memory_space<vmem>> -> memref<128xf32, #tpu.memory_space<vmem>>
    %dma_wait3A_1214 = arith.constant 0 : i32
    %dma_wait3A_1215 = tpu.memref_slice %arg6[%dma_wait3A_1210, %dma_wait3A_1214] : memref<4x128xi32, #tpu.memory_space<vmem>> -> memref<1x128xi32, #tpu.memory_space<vmem>>
    %dma_wait3A_1216 = tpu.memref_squeeze %dma_wait3A_1215 : memref<1x128xi32, #tpu.memory_space<vmem>> -> memref<128xi32, #tpu.memory_space<vmem>>
    %dma_wait3A_1217 = arith.constant 0 : i32
    %dma_wait3A_1218 = tpu.memref_slice %arg4[%dma_wait3A_1217] : memref<33554432xf32, #tpu.memory_space<hbm>> -> memref<33554432xf32, #tpu.memory_space<hbm>>
    tpu.wait_indirect_dma semaphore(%arg10 : memref<!tpu.dma_semaphore, #tpu.memory_space<semaphore_mem>>) src(%dma_wait3A_1213 : memref<128xf32, #tpu.memory_space<vmem>>) dst(%dma_wait3A_1218 : memref<33554432xf32, #tpu.memory_space<hbm>>)
    %dma_wait3A_1219 = arith.constant 1 : i32
    %dma_wait3A_1220 = arith.constant 1 : i32
    %dma_wait3A_1221 = arith.constant 0 : i32
    %dma_wait3A_1222 = tpu.memref_slice %arg7[%dma_wait3A_1219, %dma_wait3A_1221] : memref<4x128xf32, #tpu.memory_space<vmem>> -> memref<1x128xf32, #tpu.memory_space<vmem>>
    %dma_wait3A_1223 = tpu.memref_squeeze %dma_wait3A_1222 : memref<1x128xf32, #tpu.memory_space<vmem>> -> memref<128xf32, #tpu.memory_space<vmem>>
    %dma_wait3A_1224 = arith.constant 0 : i32
    %dma_wait3A_1225 = tpu.memref_slice %arg6[%dma_wait3A_1220, %dma_wait3A_1224] : memref<4x128xi32, #tpu.memory_space<vmem>> -> memref<1x128xi32, #tpu.memory_space<vmem>>
    %dma_wait3A_1226 = tpu.memref_squeeze %dma_wait3A_1225 : memref<1x128xi32, #tpu.memory_space<vmem>> -> memref<128xi32, #tpu.memory_space<vmem>>
    %dma_wait3A_1227 = arith.constant 0 : i32
    %dma_wait3A_1228 = tpu.memref_slice %arg4[%dma_wait3A_1227] : memref<33554432xf32, #tpu.memory_space<hbm>> -> memref<33554432xf32, #tpu.memory_space<hbm>>
    tpu.wait_indirect_dma semaphore(%arg10 : memref<!tpu.dma_semaphore, #tpu.memory_space<semaphore_mem>>) src(%dma_wait3A_1223 : memref<128xf32, #tpu.memory_space<vmem>>) dst(%dma_wait3A_1228 : memref<33554432xf32, #tpu.memory_space<hbm>>)
    %dma_wait3A_1229 = arith.constant 2 : i32
    %dma_wait3A_1230 = arith.constant 2 : i32
    %dma_wait3A_1231 = arith.constant 0 : i32
    %dma_wait3A_1232 = tpu.memref_slice %arg7[%dma_wait3A_1229, %dma_wait3A_1231] : memref<4x128xf32, #tpu.memory_space<vmem>> -> memref<1x128xf32, #tpu.memory_space<vmem>>
    %dma_wait3A_1233 = tpu.memref_squeeze %dma_wait3A_1232 : memref<1x128xf32, #tpu.memory_space<vmem>> -> memref<128xf32, #tpu.memory_space<vmem>>
    %dma_wait3A_1234 = arith.constant 0 : i32
    %dma_wait3A_1235 = tpu.memref_slice %arg6[%dma_wait3A_1230, %dma_wait3A_1234] : memref<4x128xi32, #tpu.memory_space<vmem>> -> memref<1x128xi32, #tpu.memory_space<vmem>>
    %dma_wait3A_1236 = tpu.memref_squeeze %dma_wait3A_1235 : memref<1x128xi32, #tpu.memory_space<vmem>> -> memref<128xi32, #tpu.memory_space<vmem>>
    %dma_wait3A_1237 = arith.constant 0 : i32
    %dma_wait3A_1238 = tpu.memref_slice %arg4[%dma_wait3A_1237] : memref<33554432xf32, #tpu.memory_space<hbm>> -> memref<33554432xf32, #tpu.memory_space<hbm>>
    tpu.wait_indirect_dma semaphore(%arg10 : memref<!tpu.dma_semaphore, #tpu.memory_space<semaphore_mem>>) src(%dma_wait3A_1233 : memref<128xf32, #tpu.memory_space<vmem>>) dst(%dma_wait3A_1238 : memref<33554432xf32, #tpu.memory_space<hbm>>)
    %dma_wait3A_1239 = arith.constant 3 : i32
    %dma_wait3A_1240 = arith.constant 3 : i32
    %dma_wait3A_1241 = arith.constant 0 : i32
    %dma_wait3A_1242 = tpu.memref_slice %arg7[%dma_wait3A_1239, %dma_wait3A_1241] : memref<4x128xf32, #tpu.memory_space<vmem>> -> memref<1x128xf32, #tpu.memory_space<vmem>>
    %dma_wait3A_1243 = tpu.memref_squeeze %dma_wait3A_1242 : memref<1x128xf32, #tpu.memory_space<vmem>> -> memref<128xf32, #tpu.memory_space<vmem>>
    %dma_wait3A_1244 = arith.constant 0 : i32
    %dma_wait3A_1245 = tpu.memref_slice %arg6[%dma_wait3A_1240, %dma_wait3A_1244] : memref<4x128xi32, #tpu.memory_space<vmem>> -> memref<1x128xi32, #tpu.memory_space<vmem>>
    %dma_wait3A_1246 = tpu.memref_squeeze %dma_wait3A_1245 : memref<1x128xi32, #tpu.memory_space<vmem>> -> memref<128xi32, #tpu.memory_space<vmem>>
    %dma_wait3A_1247 = arith.constant 0 : i32
    %dma_wait3A_1248 = tpu.memref_slice %arg4[%dma_wait3A_1247] : memref<33554432xf32, #tpu.memory_space<hbm>> -> memref<33554432xf32, #tpu.memory_space<hbm>>
    tpu.wait_indirect_dma semaphore(%arg10 : memref<!tpu.dma_semaphore, #tpu.memory_space<semaphore_mem>>) src(%dma_wait3A_1243 : memref<128xf32, #tpu.memory_space<vmem>>) dst(%dma_wait3A_1248 : memref<33554432xf32, #tpu.memory_space<hbm>>)
    return
  }
}

</mosaic_0001>

<sc_bundles>
// kernel: _body.3.cloned.1.call-start
scs
__scs_entry_jumppad:
0x0: {  	(pc) =	sbr.rel $0x88, $3  }
0x1: {  	(tag) =	ssettag $0x0;
	lr =	simm.s32 $0x1  }
0x2: {  	[smem:$0x3F9E] =	sst lr;
	_ =	strace $0xD0000000  }
0x3: {  	_ = 	snop  }
0x4: {  	_ = 	snop  }
0x5: {  	_ = 	snop  }
0x6: {  	_ = 	snop  }
0x7: {  	_ = 	snop  }
__scs_overlays_trampoline_lowered:
0x8: {  	[smem:$0x3FAD] =	sst s0  }
0x9: {  	[smem:$0x3FAE] =	sst s1  }
0xa: {  	[smem:$0x3FAF] =	sst s2  }
0xb: {  	[smem:$0x3FB0] =	sst s3  }
0xc: {  	[smem:$0x3FB1] =	sst s4  }
0xd: {  	[smem:$0x3FB2] =	sst s5  }
0xe: {  	[smem:$0x3FB3] =	sst s6  }
0xf: {  	[smem:$0x3FB4] =	sst s7  }
0x10: {  	[smem:$0x3FB5] =	sst s8  }
0x11: {  	[smem:$0x3FB6] =	sst s9;
	s0 =	simm.s32 @!p0 $0x0  }
0x12: {  	s1 =	sld [smem:$0x3F9C];
	s0 =	simm.s32 @p0 $0x1  }
0x13: {  	[smem:$0x3FB7] =	sst s0;
	s0 =	simm.s32 @!p1 $0x0  }
0x14: {  	s2 =	sld [smem:$0x3F9B];
	s0 =	simm.s32 @p1 $0x1  }
0x15: {  	[smem:$0x3FB8] =	sst s0;
	s0 =	simm.s32 @!p2 $0x0  }
0x16: {  	s3 =	sld [smem:$0x3FDB];
	s0 =	simm.s32 @p2 $0x1  }
0x17: {  	s4 =	simm.s32 $0x1BF5;
	[smem:$0x3FBA] =	sst s0  }
0x18: {  	s0 =	sld [smem:$0x3F9D];
	_ =	swait.ge [sflag:s4], $0x0  }
0x19: {  	s7 =	sld [smem:$0x3F9E]  }
0x1a: {  	s8 =	sadd.s32 $0xFFFFE003, lr  }
0x1b: {  	s9 =	sadd.s32 $0xFFFFFEF7, lr;
	s5 =	simm.s32 $0xFFFFFFFF;
	p2 =	slt.u32 s8, $0xFFFFF086  }
0x1c: {  	p1 =	slt.u32 s9, $0xF7A;
	s5 =	simm.s32 @!p2 $0x0  }
0x1d: {  	s5 =	simm.s32 @p1 $0x1;
	p0 =	seq.s32 s7, s2  }
0x1e: {  	s7 =	smul.u32 @!p0 $0xF7A, s2;
	p2 =	seq.s32 @!p0 s5, $0x0  }
0x1f: {  	s9 =	smul.u32 $0xF7A, s1;
	s8 =	simm.s32 @!p0 $0x1BF5;
	p2 =	por !p2, p0  }
0x20: {  	[sflag:s8] =	ssyncset.s32 @!p0 $0xFFFFF086;
	s6 =	sadd.s32 @!p0 s3, s7;
	s7 =	simm.s32 @!p0 $0x108  }
0x21: {  	s3 =	sadd.s32 s3, s9;
	s6 =	sadd.s32 @!p0 $0x88, s6;
	s7 =	simm.s32 @p2 $0x1082  }
0x22: {  	[simem:s7], [sflag:s8] =	dma.local @!p0 [hbm:s6], $0xF7A  }
0x23: {  	s9 =	sor.u32 $0xD0000000, s2;
	s6 =	simm.s32 $0x108;
	_ =	swait.ge @!p0 [sflag:s8], $0x0  }
0x24: {  	s3 =	sadd.s32 $0x88, s3;
	s6 =	simm.s32 @!p1 $0x1082;
	[sflag:s4] =	ssyncset.s32 $0xFFFFF086  }
0x25: {  	[simem:s6], [sflag:s4] =	dma.local [hbm:s3], $0xF7A  }
0x26: {  	[smem:$0x3F9E] =	sst s1;
	(tag) =	ssettag s2;
	_ =	strace s9  }
0x27: {  	s1 =	sld [smem:$0x3FAE]  }
0x28: {  	s2 =	sld [smem:$0x3FAF]  }
0x29: {  	s4 =	sld [smem:$0x3FB1]  }
0x2a: {  	p0 =	seq.s32 s5, $0x0;
	s5 =	sld [smem:$0x3FB2]  }
0x2b: {  	s6 =	sld [smem:$0x3FB3]  }
0x2c: {  	s7 =	sld [smem:$0x3FB4]  }
0x2d: {  	s3 =	simm.s32 $0x108;
	s8 =	sld [smem:$0x3FB5]  }
0x2e: {  	s3 =	simm.s32 @!p0 $0x1082;
	s9 =	sld [smem:$0x3FB6]  }
0x2f: {  	lr =	sadd.s32 s0, s3;
	s0 =	sld [smem:$0x3FAD]  }
0x30: {  	s3 =	sld [smem:$0x3FB0]  }
0x31: {  	[smem:$0x3FB9] =	sst s10  }
0x32: {  	s10 =	sld [smem:$0x3FB7];
	_ =	sdelay $0x3  }
0x33: {  	p0 =	seq.s32 s10, $0x1;
	s10 =	sld [smem:$0x3FB9];
	_ =	sdelay $0x3  }
0x34: {  	[smem:$0x3FB9] =	sst s10  }
0x35: {  	s10 =	sld [smem:$0x3FB8];
	_ =	sdelay $0x3  }
0x36: {  	p1 =	seq.s32 s10, $0x1;
	s10 =	sld [smem:$0x3FB9];
	_ =	sdelay $0x3  }
0x37: {  	[smem:$0x3FB9] =	sst s10  }
0x38: {  	s10 =	sld [smem:$0x3FBA]  }
0x39: {  	_ = 	snop;
	(pc) =	sbr.ind lr, $3  }
0x3a: {  	_ = 	snop  }
0x3b: {  	_ = 	snop  }
0x3c: {  	p2 =	seq.s32 s10, $0x1;
	s10 =	sld [smem:$0x3FB9]  }
0x3d: {  	_ =	shalt  }
0x3e: {  	_ =	shalt  }
0x3f: {  	_ =	shalt  }
0x40: {  	_ =	shalt  }
0x41: {  	_ =	shalt  }
0x42: {  	_ =	shalt  }
0x43: {  	_ =	shalt  }
0x44: {  	_ =	shalt  }
0x45: {  	_ =	shalt  }
0x46: {  	_ =	shalt  }
0x47: {  	_ =	shalt  }
0x48: {  	_ =	shalt  }
0x49: {  	_ =	shalt  }
0x4a: {  	_ =	shalt  }
0x4b: {  	_ =	shalt  }
0x4c: {  	_ =	shalt  }
0x4d: {  	_ =	shalt  }
0x4e: {  	_ =	shalt  }
0x4f: {  	_ =	shalt  }
0x50: {  	_ =	shalt  }
0x51: {  	_ =	shalt  }
0x52: {  	_ =	shalt  }
0x53: {  	_ =	shalt  }
0x54: {  	_ =	shalt  }
0x55: {  	_ =	shalt  }
0x56: {  	_ =	shalt  }
0x57: {  	_ =	shalt  }
0x58: {  	_ =	shalt  }
0x59: {  	_ =	shalt  }
0x5a: {  	_ =	shalt  }
0x5b: {  	_ =	shalt  }
0x5c: {  	_ =	shalt  }
0x5d: {  	_ =	shalt  }
0x5e: {  	_ =	shalt  }
0x5f: {  	_ =	shalt  }
0x60: {  	_ =	shalt  }
0x61: {  	_ =	shalt  }
0x62: {  	_ =	shalt  }
0x63: {  	_ =	shalt  }
0x64: {  	_ =	shalt  }
0x65: {  	_ =	shalt  }
0x66: {  	_ =	shalt  }
0x67: {  	_ =	shalt  }
0x68: {  	_ =	shalt  }
0x69: {  	_ =	shalt  }
0x6a: {  	_ =	shalt  }
0x6b: {  	_ =	shalt  }
0x6c: {  	_ =	shalt  }
0x6d: {  	_ =	shalt  }
0x6e: {  	_ =	shalt  }
0x6f: {  	_ =	shalt  }
0x70: {  	_ =	shalt  }
0x71: {  	_ =	shalt  }
0x72: {  	_ =	shalt  }
0x73: {  	_ =	shalt  }
0x74: {  	_ =	shalt  }
0x75: {  	_ =	shalt  }
0x76: {  	_ =	shalt  }
0x77: {  	_ =	shalt  }
0x78: {  	_ =	shalt  }
0x79: {  	_ =	shalt  }
0x7a: {  	_ =	shalt  }
0x7b: {  	_ =	shalt  }
0x7c: {  	_ =	shalt  }
0x7d: {  	_ =	shalt  }
0x7e: {  	_ =	shalt  }
0x7f: {  	_ =	shalt  }
0x80: {  	_ =	shalt  }
0x81: {  	_ =	shalt  }
0x82: {  	_ =	shalt  }
0x83: {  	_ =	shalt  }
0x84: {  	_ =	shalt  }
0x85: {  	_ =	shalt  }
0x86: {  	_ =	shalt  }
0x87: {  	_ =	shalt  }
.Lfunc_end0:
.L_simem_size_0:
called_computation.1_lowered:
.L_overlay_start_0:
0x88: {  	s2 =	sld [smem:$0x3FD9]  }
0x89: {  	s3 =	sld [smem:$0x3FFE];
	_ =	sdelay $0x1  }
0x8a: {  	s1 =	srdreg.scid  }
0x8b: {  	s0 =	sand.u32 $0x1, s1  }
0x8c: {  	s17 =	sshll.u32 s0, $0xA;
	s2 =	sadd.s32 s3, s2  }
0x8d: {  	s2 =	sadd.s32 s2, s17  }
0x8e: {  	[smem:$0x3FC5] =	sst s2  }
0x8f: {  	_ = 	snop  }
0x90: {  	s2 =	sld [smem:$0x3FD0];
	(tm) =	ssettm $0x1  }
0x91: {  	s18 =	sld [smem:$0x3FFB];
	_ =	sdelay $0x3  }
0x92: {  	_ =	strace s18  }
0x93: {  	s3 =	sld [smem:$0x3FFC];
	_ =	sdelay $0x3  }
0x94: {  	_ =	strace s3  }
0x95: {  	s3 =	sld [smem:$0x3FFD];
	_ =	sdelay $0x3  }
0x96: {  	_ =	strace s3  }
0x97: {  	_ =	strace $0x8FFFFFFF  }
0x98: {  	s19 =	sld [smem:$0x3FDB];
	_ =	sdelay $0x1  }
0x99: {  	s4 =	simm.s32 $_scs_section_size  }
0x9a: {  	s5 =	simm.s32 $_size__tile_overlayer_lowered;
	s6 =	simm.s32 $_tile_overlayer_lowered  }
0x9b: {  	s22 =	simm.s32 $0x1BFF;
	s21 =	sshll.u32 s6, $0x1;
	s3 =	sadd.s32 s4, s19  }
0x9c: {  	s7 =	simm.s32 $0x0;
	s20 =	sshll.u32 s5, $0x1;
	s5 =	sadd.s32 s21, s3  }
0x9d: {  	[timem:s7], [sflag:s22] =	dma.local [hbm:s5], s20  }
0x9e: {  	_ =	swait.ge [sflag:s22], s20  }
0x9f: {  	s4 =	ssub.s32 $0x0, s20;
	[sflag:s22] =	ssyncset.done $0x0  }
0xa0: {  	[sflag:s22] =	ssyncadd.s32 s4;
	_ =	sdelay $0x1  }
0xa1: {  	s23 =	simm.s32 $0x1B8B  }
0xa2: {  	_ =	swait.ge [sflag:s23], $0x1  }
0xa3: {  	[sflag:s23] =	ssyncset.done $0x0  }
0xa4: {  	s25 =	simm.s32 $0x1B8E;
	s24 =	sld [smem:$0x3FFE];
	[sflag:s23] =	ssyncadd.s32 $0xFFFFFFFF  }
0xa5: {  	s26 =	simm.s32 $execute0_lowered;
	[smem:$0x3FD2] =	sst s25  }
0xa6: {  	s5 =	sshll.u32 s26, $0x1;
	_ =	strace $0x80000049;
	[dreg:$0x1] =	wrdreg $0xFFFFFFFF  }
0xa7: {  	s28 =	simm.s32 $_size_execute0_lowered;
	s3 =	sadd.s32 s3, s5;
	[dreg:$0x0] =	wrdreg $0x0  }
0xa8: {  	s5 =	sshll.u32 s28, $0x1;
	[dreg:$0x2] =	wrdreg s3  }
0xa9: {  	[dreg:$0x3] =	wrdreg s5  }
0xaa: {  	[dreg:$0x4] =	wrdreg $0xC0  }
0xab: {  	_ =	task [dreg:s7], $0x5FFFF  }
0xac: {  	[dreg:$0x1] =	wrdreg $0xFFFFFFFF  }
0xad: {  	[dreg:$0x0] =	wrdreg $0x60  }
0xae: {  	[dreg:$0x2] =	wrdreg s2  }
0xaf: {  	[dreg:$0x3] =	wrdreg s24  }
0xb0: {  	[dreg:$0x4] =	wrdreg $0x9  }
0xb1: {  	_ =	task.clear_ibuf [dreg:s7], $0x5FFFF;
	_ =	strace $0x90000049  }
0xb2: {  	s29 =	simm.s32 $0x9;
	_ =	strace $0x8000004B  }
0xb3: {  	_ =	swait.ge [sflag:s29], $0x1  }
0xb4: {  	[sflag:s29] =	ssyncadd.s32 $0xFFFFFFFF  }
0xb5: {  	_ =	strace $0x9000004B  }
0xb6: {  	_ =	sfence  }
0xb7: {  	s30 =	sld [smem:$0x0];
	_ =	sdelay $0x2  }
0xb8: {  	s31 =	sshll.u32 s1, $0xD;
	s1 =	sshrl.u32 s1, $0x2  }
0xb9: {  	s3 =	sand.u32 $0x4000, s31;
	s1 =	sadd.s32 s1, s30  }
0xba: {  	s0 =	sor.u32 s3, s0;
	s1 =	sshll.u32 s1, $0x11  }
0xbb: {  	s0 =	sor.u32 s1, s0  }
0xbc: {  	s0 =	sadd.s32 $0x8F2B, s0  }
0xbd: {  	[sflag:s0] =	ssyncadd.remote.s32 $0x1  }
0xbe: {  	_ =	sfence.sel $0xFFFF  }
0xbf: {  	[dreg:$0x0] =	wrdreg $0xFFFFFFFF;
	(pc) =	sbr.abs _section_cstart, $3  }
0xc0: {  	[dreg:$0x1] =	wrdreg $0xFFFFFFFF  }
0xc1: {  	_ =	task.clear_ibuf [dreg:s7], $0x2FFFF;
	_ =	strace $0x9FFFFFFF  }
0xc2: {  	(tm) =	ssettm $0x7FFFFFFF  }
0xc3: {  	_ =	shalt  }
tec
execute0_lowered:
.L_overlay_start_1:
0x0: {  	(tag) =	ssettag $0x1  }
0x1: {  	s1 =	srdreg.scid  }
0x2: {  	s0 =	stileid.u32;
	s4 =	sand.u32 $0x1, s1  }
0x3: {  	s28 =	sshll.u32 s0, $0xA;
	s2 =	sshll.u32 s4, $0x9  }
0x4: {  	v29 =	vlaneseq.u32;
	s6 =	sor.u32 s2, s28  }
0x5: {  	v0 =	vor.u32 s6, v29  }
0x6: {  	s29 =	sor.u32 $0x20, s6;
	s30 =	sor.u32 $0x30, s6;
	v1 =	vshll.u32 v0, $0xB  }
0x7: {  	s2 =	sor.u32 $0x50, s6;
	s3 =	sor.u32 $0x60, s6;
	s7 =	sor.u32 $0x80, s6;
	v0 =	vand.u32 $0x60F, v0;
	v3 =	vor.u32 s29, v29;
	v4 =	vor.u32 s30, v29  }
0x8: {  	s8 =	sor.u32 $0x90, s6;
	s10 =	sor.u32 $0xB0, s6;
	s11 =	sor.u32 $0xC0, s6;
	v6 =	vor.u32 s2, v29;
	v7 =	vor.u32 s3, v29;
	v9 =	vor.u32 s7, v29  }
0x9: {  	s13 =	sor.u32 $0xE0, s6;
	s14 =	sor.u32 $0xF0, s6;
	s16 =	sor.u32 $0x110, s6;
	v10 =	vor.u32 s8, v29;
	v12 =	vor.u32 s10, v29;
	v13 =	vor.u32 s11, v29  }
0xa: {  	s17 =	sor.u32 $0x120, s6;
	s19 =	sor.u32 $0x140, s6;
	s20 =	sor.u32 $0x150, s6;
	v15 =	vor.u32 s13, v29;
	v16 =	vor.u32 s14, v29;
	v18 =	vor.u32 s16, v29  }
0xb: {  	s22 =	sor.u32 $0x170, s6;
	s23 =	sor.u32 $0x180, s6;
	s24 =	sor.u32 $0x1A0, s6;
	v19 =	vor.u32 s17, v29;
	v21 =	vor.u32 s19, v29;
	v22 =	vor.u32 s20, v29  }
0xc: {  	s1 =	sor.u32 $0x10, s6;
	v24 =	vor.u32 s22, v29;
	v25 =	vor.u32 s23, v29;
	v27 =	vor.u32 s24, v29  }
0xd: {  	v0 =	vor.u32 v0, v1;
	v1 =	vor.u32 s1, v29;
	v5 =	vshll.u32 v4, $0xB  }
0xe: {  	v4 =	vand.u32 $0x63F, v4;
	v8 =	vshll.u32 v7, $0xB;
	v7 =	vand.u32 $0x66F, v7  }
0xf: {  	v11 =	vshll.u32 v10, $0xB;
	v10 =	vand.u32 $0x69F, v10;
	v14 =	vshll.u32 v13, $0xB  }
0x10: {  	v13 =	vand.u32 $0x6CF, v13;
	v17 =	vshll.u32 v16, $0xB;
	v16 =	vand.u32 $0x6FF, v16  }
0x11: {  	v20 =	vshll.u32 v19, $0xB;
	v19 =	vand.u32 $0x72F, v19;
	v23 =	vshll.u32 v22, $0xB  }
0x12: {  	v22 =	vand.u32 $0x75F, v22;
	v2 =	vshll.u32 v1, $0xB;
	v1 =	vand.u32 $0x61F, v1  }
0x13: {  	s31 =	sor.u32 $0x40, s6;
	v1 =	vor.u32 v1, v2;
	v2 =	vshll.u32 v3, $0xB;
	v3 =	vand.u32 $0x62F, v3  }
0x14: {  	v2 =	vor.u32 v3, v2;
	v3 =	vor.u32 v4, v5;
	v4 =	vor.u32 s31, v29  }
0x15: {  	v26 =	vshll.u32 v25, $0xB;
	v5 =	vshll.u32 v4, $0xB;
	v4 =	vand.u32 $0x64F, v4  }
0x16: {  	s5 =	sor.u32 $0x70, s6;
	v4 =	vor.u32 v4, v5;
	v5 =	vshll.u32 v6, $0xB;
	v6 =	vand.u32 $0x65F, v6  }
0x17: {  	v5 =	vor.u32 v6, v5;
	v6 =	vor.u32 v7, v8;
	v7 =	vor.u32 s5, v29  }
0x18: {  	v25 =	vand.u32 $0x78F, v25;
	v8 =	vshll.u32 v7, $0xB;
	v7 =	vand.u32 $0x67F, v7  }
0x19: {  	s9 =	sor.u32 $0xA0, s6;
	v7 =	vor.u32 v7, v8;
	v8 =	vshll.u32 v9, $0xB;
	v9 =	vand.u32 $0x68F, v9  }
0x1a: {  	s8 =	sor.u32 $0x1B0, s6;
	v8 =	vor.u32 v9, v8;
	v9 =	vor.u32 v10, v11;
	v10 =	vor.u32 s9, v29  }
0x1b: {  	v28 =	vor.u32 s8, v29;
	v11 =	vshll.u32 v10, $0xB;
	v10 =	vand.u32 $0x6AF, v10  }
0x1c: {  	s12 =	sor.u32 $0xD0, s6;
	v10 =	vor.u32 v10, v11;
	v11 =	vshll.u32 v12, $0xB;
	v12 =	vand.u32 $0x6BF, v12  }
0x1d: {  	s29 =	sor.u32 $0x1D0, s6;
	v11 =	vor.u32 v12, v11;
	v12 =	vor.u32 v13, v14;
	v13 =	vor.u32 s12, v29  }
0x1e: {  	v31 =	vor.u32 s29, v29;
	v14 =	vshll.u32 v13, $0xB;
	v13 =	vand.u32 $0x6DF, v13  }
0x1f: {  	s15 =	sor.u32 $0x100, s6;
	v13 =	vor.u32 v13, v14;
	v14 =	vshll.u32 v15, $0xB;
	v15 =	vand.u32 $0x6EF, v15  }
0x20: {  	s30 =	sor.u32 $0x1E0, s6;
	v14 =	vor.u32 v15, v14;
	v15 =	vor.u32 v16, v17;
	v16 =	vor.u32 s15, v29  }
0x21: {  	v32 =	vor.u32 s30, v29;
	v17 =	vshll.u32 v16, $0xB;
	v16 =	vand.u32 $0x70F, v16  }
0x22: {  	s18 =	sor.u32 $0x130, s6;
	v16 =	vor.u32 v16, v17;
	v17 =	vshll.u32 v18, $0xB;
	v18 =	vand.u32 $0x71F, v18  }
0x23: {  	v17 =	vor.u32 v18, v17;
	v18 =	vor.u32 v19, v20;
	v19 =	vor.u32 s18, v29  }
0x24: {  	v30 =	vshll.u32 v28, $0xB;
	v20 =	vshll.u32 v19, $0xB;
	v19 =	vand.u32 $0x73F, v19  }
0x25: {  	s21 =	sor.u32 $0x160, s6;
	v19 =	vor.u32 v19, v20;
	v20 =	vshll.u32 v21, $0xB;
	v21 =	vand.u32 $0x74F, v21  }
0x26: {  	v20 =	vor.u32 v21, v20;
	v21 =	vor.u32 v22, v23;
	v22 =	vor.u32 s21, v29  }
0x27: {  	s26 =	sor.u32 $0x1C0, s6;
	v28 =	vand.u32 $0x7BF, v28;
	v23 =	vshll.u32 v22, $0xB;
	v22 =	vand.u32 $0x76F, v22  }
0x28: {  	s28 =	sshrl.u32 s6, $0x3;
	s7 =	rddreg [dreg:$0x1];
	s3 =	sor.u32 $0x190, s6;
	v22 =	vor.u32 v22, v23;
	v23 =	vshll.u32 v24, $0xB;
	v24 =	vand.u32 $0x77F, v24  }
0x29: {  	s2 =	simm.s32 $0x0;
	s10 =	simm.s32 $0x80;
	s11 =	simm.s32 $0x200;
	v23 =	vor.u32 v24, v23;
	v24 =	vor.u32 v25, v26;
	v25 =	vor.u32 s3, v29  }
0x2a: {  	s13 =	simm.s32 $0x100;
	s14 =	simm.s32 $0x300;
	s1 =	rddreg [dreg:$0x2];
	v33 =	vshll.u32 v32, $0xB;
	v26 =	vshll.u32 v25, $0xB;
	v25 =	vand.u32 $0x79F, v25  }
0x2b: {  	s16 =	simm.s32 $0x380;
	s17 =	simm.s32 $0x1;
	[smem:$0x7FF] =	sst s2;
	v25 =	vor.u32 v25, v26;
	v26 =	vshll.u32 v27, $0xB;
	v27 =	vand.u32 $0x7AF, v27  }
0x2c: {  	s8 =	simm.s32 $0x2;
	s31 =	sor.u32 $0x1F0, s6;
	s5 =	rddreg [dreg:$0x0];
	v26 =	vor.u32 v27, v26;
	v27 =	vor.u32 v28, v30;
	v28 =	vor.u32 s26, v29  }
0x2d: {  	v32 =	vand.u32 $0x7EF, v32;
	_ =	strace $0x8000004A;
	s5 =	sadd.s32 s5, s28;
	s9 =	ssub.s32 $0x2, s4;
	v29 =	vor.u32 s31, v29;
	v30 =	vshll.u32 v28, $0xB  }
0x2e: {  	s4 =	sadd.s32 $0x800, s7;
	s25 =	sshrl.u32 s9, $0x1;
	s12 =	simm.s32 $0x280;
	v28 =	vand.u32 $0x7CF, v28;
	v34 =	vshll.u32 v29, $0xB;
	v35 =	vand.u32 $0x7FF, v29  }
0x2f: {  	s15 =	simm.s32 $0x180;
	s3 =	sadd.s32 $0x400A00, s7;
	s7 =	ssub.s32 s9, s25;
	v28 =	vor.u32 v28, v30;
	v30 =	vshll.u32 v31, $0xB;
	v31 =	vand.u32 $0x7DF, v31  }
0x30: {  	s9 =	simm.s32 $0x600;
	s6 =	smax.u32 s7, $0x1;
	s7 =	simm.s32 $0x400;
	v29 =	vor.u32 v31, v30;
	v30 =	vor.u32 v32, v33;
	v31 =	vor.u32 v35, v34  }
.LBB2_1:
0x31: {  	[tilespmem:s7], [sflag:$0x2] =	stream.linear.gather [hbm4b:s5+s2], $0x200, $0x38;
	[tilespmem:$0x680] =	vst v63  }
0x32: {  	_ =	swait.ge [sflag:s8], $0x200  }
0x33: {  	[sflag:s8] =	ssyncset.done $0x0  }
0x34: {  	[sflag:s8] =	ssyncadd.s32 $0xFFFFFE00  }
0x35: {  	[tilespmem:s9], [sflag:$0x2] =	stream.linear.gather [hbm4b:s3+s2], $0x80, $0x38;
	[tilespmem:$0x680] =	vst v63  }
0x36: {  	_ =	swait.ge [sflag:s8], $0x80  }
0x37: {  	[sflag:s8] =	ssyncset.done $0x0  }
0x38: {  	[sflag:s8] =	ssyncadd.s32 $0xFFFFFF80  }
0x39: {  	[tilespmem:$0x0] =	vst v0  }
0x3a: {  	[tilespmem:$0x10] =	vst v1  }
0x3b: {  	[tilespmem:$0x20] =	vst v2  }
0x3c: {  	[tilespmem:$0x30] =	vst v3  }
0x3d: {  	[tilespmem:$0x40] =	vst v4  }
0x3e: {  	[tilespmem:$0x50] =	vst v5  }
0x3f: {  	[tilespmem:$0x60] =	vst v6  }
0x40: {  	[tilespmem:$0x70] =	vst v7  }
0x41: {  	[tilespmem:$0x80] =	vst v8  }
0x42: {  	[tilespmem:$0x90] =	vst v9  }
0x43: {  	[tilespmem:$0xA0] =	vst v10  }
0x44: {  	[tilespmem:$0xB0] =	vst v11  }
0x45: {  	[tilespmem:$0xC0] =	vst v12  }
0x46: {  	[tilespmem:$0xD0] =	vst v13  }
0x47: {  	[tilespmem:$0xE0] =	vst v14  }
0x48: {  	[tilespmem:$0xF0] =	vst v15  }
0x49: {  	[tilespmem:$0x100] =	vst v16  }
0x4a: {  	[tilespmem:$0x110] =	vst v17  }
0x4b: {  	[tilespmem:$0x120] =	vst v18  }
0x4c: {  	[tilespmem:$0x130] =	vst v19  }
0x4d: {  	[tilespmem:$0x140] =	vst v20  }
0x4e: {  	[tilespmem:$0x150] =	vst v21  }
0x4f: {  	[tilespmem:$0x160] =	vst v22  }
0x50: {  	[tilespmem:$0x170] =	vst v23  }
0x51: {  	[tilespmem:$0x180] =	vst v24  }
0x52: {  	[tilespmem:$0x190] =	vst v25  }
0x53: {  	[tilespmem:$0x1A0] =	vst v26  }
0x54: {  	[tilespmem:$0x1B0] =	vst v27  }
0x55: {  	[tilespmem:$0x1C0] =	vst v28  }
0x56: {  	[tilespmem:$0x1D0] =	vst v29  }
0x57: {  	[tilespmem:$0x1E0] =	vst v30  }
0x58: {  	[tilespmem:$0x1F0] =	vst v31  }
0x59: {  	[tilespmem:s11], [sflag:$0x1] =	stream.indirect.gather [hbm4b:s4+s10], $0x1, s2, s10, $0xb8;
	[tilespmem:$0x680] =	vst v63  }
0x5a: {  	_ = 	snop  }
0x5b: {  	[tilespmem:s12], [sflag:$0x1] =	stream.indirect.gather [hbm4b:s4+s10], $0x1, s10, s10, $0xb8;
	[tilespmem:$0x680] =	vst v63  }
0x5c: {  	_ = 	snop  }
0x5d: {  	[tilespmem:s14], [sflag:$0x1] =	stream.indirect.gather [hbm4b:s4+s10], $0x1, s13, s10, $0xb8;
	[tilespmem:$0x680] =	vst v63  }
0x5e: {  	_ = 	snop  }
0x5f: {  	[tilespmem:s16], [sflag:$0x1] =	stream.indirect.gather [hbm4b:s4+s10], $0x1, s15, s10, $0xb8;
	[tilespmem:$0x680] =	vst v63  }
0x60: {  	_ =	swait.ge [sflag:s17], $0x80  }
0x61: {  	[sflag:s17] =	ssyncset.done $0x0  }
0x62: {  	[sflag:s17] =	ssyncadd.s32 $0xFFFFFF80  }
0x63: {  	_ =	swait.ge [sflag:s17], $0x80  }
0x64: {  	[sflag:s17] =	ssyncset.done $0x0  }
0x65: {  	[sflag:s17] =	ssyncadd.s32 $0xFFFFFF80  }
0x66: {  	_ =	swait.ge [sflag:s17], $0x80  }
0x67: {  	[sflag:s17] =	ssyncset.done $0x0  }
0x68: {  	[sflag:s17] =	ssyncadd.s32 $0xFFFFFF80  }
0x69: {  	_ =	swait.ge [sflag:s17], $0x80  }
0x6a: {  	[sflag:s17] =	ssyncset.done $0x0  }
0x6b: {  	[sflag:s17] =	ssyncadd.s32 $0xFFFFFF80  }
0x6c: {  	v32 =	vld [tilespmem:$0x600]  }
0x6d: {  	v33 =	vld [tilespmem:$0x400]  }
0x6e: {  	v34 =	vld [tilespmem:$0x200]  }
0x6f: {  	v35 =	vld [tilespmem:$0x410]  }
0x70: {  	v36 =	vld [tilespmem:$0x210]  }
0x71: {  	v37 =	vld [tilespmem:$0x420]  }
0x72: {  	v38 =	vld [tilespmem:$0x220]  }
0x73: {  	v39 =	vld [tilespmem:$0x430]  }
0x74: {  	v40 =	vld [tilespmem:$0x230]  }
0x75: {  	v41 =	vld [tilespmem:$0x440]  }
0x76: {  	v42 =	vld [tilespmem:$0x240]  }
0x77: {  	v43 =	vld [tilespmem:$0x450]  }
0x78: {  	v44 =	vld [tilespmem:$0x250]  }
0x79: {  	v45 =	vld [tilespmem:$0x460]  }
0x7a: {  	v46 =	vld [tilespmem:$0x260]  }
0x7b: {  	v47 =	vld [tilespmem:$0x470]  }
0x7c: {  	v48 =	vld [tilespmem:$0x270]  }
0x7d: {  	v49 =	vld [tilespmem:$0x480];
	v32 =	vmul.f32 $1.442695020e+00, v32  }
0x7e: {  	v52 =	vld [tilespmem:$0x490];
	v33 =	vmul.f32 $1.442695020e+00, v33;
	v63 =	vmul.f32 $1.442695020e+00, v35  }
0x7f: {  	v55 =	vld [tilespmem:$0x4A0];
	v50 =	vmul.f32 $1.442695020e+00, v37;
	(erf) = vpow2.f32 v32  }
0x80: {  	v57 =	vld [tilespmem:$0x4B0];
	v51 =	vmul.f32 $1.442695020e+00, v39;
	(erf) = vpow2.f32 v33  }
0x81: {  	v59 =	vld [tilespmem:$0x4C0];
	v53 =	vmul.f32 $1.442695020e+00, v41;
	(erf) = vpow2.f32 v63  }
0x82: {  	v61 =	vld [tilespmem:$0x4D0];
	v54 =	vmul.f32 $1.442695020e+00, v43;
	(erf) = vpow2.f32 v50  }
0x83: {  	v37 =	vld [tilespmem:$0x280];
	v56 =	vmul.f32 $1.442695020e+00, v45;
	(erf) = vpow2.f32 v51  }
0x84: {  	v41 =	vld [tilespmem:$0x290];
	v58 =	vmul.f32 $1.442695020e+00, v47;
	(erf) = vpow2.f32 v53  }
0x85: {  	v60 =	vmul.f32 $1.442695020e+00, v49;
	v49 =	vld [tilespmem:$0x4E0];
	(erf) = vpow2.f32 v54  }
0x86: {  	v39 =	vmul.f32 $1.442695020e+00, v52;
	v63 =	vld [tilespmem:$0x4F0];
	(erf) = vpow2.f32 v56  }
0x87: {  	v62 =	vmul.f32 $1.442695020e+00, v55;
	v55 =	vld [tilespmem:$0x2F0];
	(erf) = vpow2.f32 v58  }
0x88: {  	v35 =	vmul.f32 $1.442695020e+00, v61;
	v53 =	vld [tilespmem:$0x2A0];
	v32 =	vpop (erf);
	(erf) = vpow2.f32 v60  }
0x89: {  	v56 =	vmul.f32 $1.442695020e+00, v57;
	v57 =	vld [tilespmem:$0x500];
	v50 =	vpop (erf);
	(erf) = vpow2.f32 v39  }
0x8a: {  	v58 =	vmul.f32 $1.442695020e+00, v59;
	v59 =	vld [tilespmem:$0x510];
	v51 =	vpop (erf);
	(erf) = vpow2.f32 v62  }
0x8b: {  	v54 =	vld [tilespmem:$0x2B0];
	v61 =	vmul.f32 $1.442695020e+00, v63;
	v52 =	vpop (erf);
	(erf) = vpow2.f32 v56  }
0x8c: {  	v60 =	vmul.f32 $1.442695020e+00, v49;
	v34 =	vadd.f32 v50, v34;
	v50 =	vld [tilespmem:$0x2C0];
	v39 =	vpop (erf);
	(erf) = vpow2.f32 v58  }
0x8d: {  	v36 =	vadd.f32 v51, v36;
	v51 =	vld [tilespmem:$0x2D0];
	v38 =	vadd.f32 v52, v38;
	v49 =	vpop (erf);
	(erf) = vpow2.f32 v35  }
0x8e: {  	v62 =	vmul.f32 $1.442695020e+00, v57;
	v56 =	vld [tilespmem:$0x300];
	v34 =	vadd.f32 v34, v32;
	v43 =	vpop (erf);
	(erf) = vpow2.f32 v60  }
0x8f: {  	v57 =	vld [tilespmem:$0x320];
	v33 =	vadd.f32 v36, v32;
	v60 =	vmul.f32 $1.442695020e+00, v59;
	v63 =	vpop (erf);
	(erf) = vpow2.f32 v61  }
0x90: {  	v52 =	vld [tilespmem:$0x2E0];
	v36 =	vadd.f32 v38, v32;
	v61 =	vadd.f32 v39, v40;
	v47 =	vpop (erf);
	(erf) = vpow2.f32 v62  }
0x91: {  	v59 =	vld [tilespmem:$0x530];
	v43 =	vadd.f32 v43, v44;
	v62 =	vadd.f32 v49, v42;
	v38 =	vpop (erf);
	(erf) = vpow2.f32 v60  }
0x92: {  	v63 =	vadd.f32 v63, v46;
	v46 =	vld [tilespmem:$0x520];
	v35 =	vadd.f32 v61, v32;
	v40 =	vpop (erf)  }
0x93: {  	v42 =	vld [tilespmem:$0x310];
	v43 =	vadd.f32 v43, v32;
	v47 =	vadd.f32 v47, v48;
	v60 =	vpop (erf)  }
0x94: {  	v40 =	vadd.f32 v40, v41;
	v61 =	vpop (erf);
	v41 =	vadd.f32 v60, v53;
	v60 =	vld [tilespmem:$0x540]  }
0x95: {  	v39 =	vadd.f32 v62, v32;
	v37 =	vadd.f32 v38, v37;
	v53 =	vld [tilespmem:$0x5B0];
	v58 =	vpop (erf)  }
0x96: {  	[tilespmem:$0x200] =	vst v34;
	v44 =	vadd.f32 v63, v32;
	v34 =	vadd.f32 v61, v54;
	v54 =	vld [tilespmem:$0x550];
	v62 =	vpop (erf)  }
0x97: {  	[tilespmem:$0x210] =	vst v33;
	v37 =	vadd.f32 v37, v32;
	v46 =	vmul.f32 $1.442695020e+00, v46;
	v63 =	vpop (erf);
	v33 =	vadd.f32 v62, v51;
	v51 =	vld [tilespmem:$0x560]  }
0x98: {  	[tilespmem:$0x220] =	vst v36;
	v49 =	vadd.f32 v58, v50;
	v58 =	vmul.f32 $1.442695020e+00, v59;
	v61 =	vpop (erf);
	v38 =	vadd.f32 v63, v52;
	v52 =	vld [tilespmem:$0x570]  }
0x99: {  	[tilespmem:$0x230] =	vst v35;
	v59 =	vld [tilespmem:$0x580];
	v41 =	vadd.f32 v41, v32;
	v62 =	vpop (erf);
	v36 =	vadd.f32 v61, v55;
	v60 =	vmul.f32 $1.442695020e+00, v60  }
0x9a: {  	[tilespmem:$0x250] =	vst v43;
	v61 =	vld [tilespmem:$0x590];
	v50 =	vmul.f32 $1.442695020e+00, v53;
	v45 =	vadd.f32 v62, v56;
	v63 =	vpop (erf);
	(erf) = vpow2.f32 v46  }
0x9b: {  	[tilespmem:$0x240] =	vst v39;
	v62 =	vmul.f32 $1.442695020e+00, v54;
	v42 =	vadd.f32 v63, v42;
	(erf) = vpow2.f32 v58;
	v63 =	vld [tilespmem:$0x5A0]  }
0x9c: {  	v40 =	vadd.f32 v40, v32;
	[tilespmem:$0x2A0] =	vst v41;
	v41 =	vld [tilespmem:$0x5F0];
	(erf) = vpow2.f32 v60;
	v51 =	vmul.f32 $1.442695020e+00, v51  }
0x9d: {  	[tilespmem:$0x260] =	vst v44;
	v34 =	vadd.f32 v34, v32;
	v55 =	vld [tilespmem:$0x5C0];
	(erf) = vpow2.f32 v62;
	v54 =	vmul.f32 $1.442695020e+00, v52  }
0x9e: {  	[tilespmem:$0x280] =	vst v37;
	v33 =	vadd.f32 v33, v32;
	v58 =	vmul.f32 $1.442695020e+00, v59;
	v59 =	vld [tilespmem:$0x5D0];
	(erf) = vpow2.f32 v51  }
0x9f: {  	[tilespmem:$0x290] =	vst v40;
	v56 =	vadd.f32 v47, v32;
	v60 =	vmul.f32 $1.442695020e+00, v61;
	v61 =	vld [tilespmem:$0x5E0];
	(erf) = vpow2.f32 v54  }
0xa0: {  	v48 =	vld [tilespmem:$0x330];
	[tilespmem:$0x2B0] =	vst v34;
	v38 =	vadd.f32 v38, v32;
	(erf) = vpow2.f32 v58;
	v62 =	vmul.f32 $1.442695020e+00, v63  }
0xa1: {  	v35 =	vld [tilespmem:$0x340];
	[tilespmem:$0x270] =	vst v56;
	v56 =	vadd.f32 v49, v32;
	v41 =	vmul.f32 $1.442695020e+00, v41;
	(erf) = vpow2.f32 v60  }
0xa2: {  	[tilespmem:$0x2D0] =	vst v33;
	v52 =	vld [tilespmem:$0x350];
	v53 =	vadd.f32 v42, v32;
	v43 =	vmul.f32 $1.442695020e+00, v55;
	(erf) = vpow2.f32 v62  }
0xa3: {  	[tilespmem:$0x2C0] =	vst v56;
	v55 =	vld [tilespmem:$0x360];
	v63 =	vadd.f32 v36, v32;
	v56 =	vmul.f32 $1.442695020e+00, v59;
	v54 =	vpop (erf);
	(erf) = vpow2.f32 v50  }
0xa4: {  	[tilespmem:$0x2E0] =	vst v38;
	v60 =	vld [tilespmem:$0x370];
	v40 =	vmul.f32 $1.442695020e+00, v61;
	v58 =	vadd.f32 v54, v57;
	v59 =	vpop (erf);
	(erf) = vpow2.f32 v43  }
0xa5: {  	v51 =	vadd.f32 v45, v32;
	[tilespmem:$0x2F0] =	vst v63;
	v63 =	vld [tilespmem:$0x380];
	v61 =	vadd.f32 v59, v48;
	v62 =	vpop (erf);
	(erf) = vpow2.f32 v56  }
0xa6: {  	v47 =	vld [tilespmem:$0x390];
	[tilespmem:$0x310] =	vst v53;
	v45 =	vadd.f32 v58, v32;
	v35 =	vadd.f32 v62, v35;
	v46 =	vpop (erf);
	(erf) = vpow2.f32 v40  }
0xa7: {  	[tilespmem:$0x300] =	vst v51;
	v51 =	vld [tilespmem:$0x3A0];
	v48 =	vadd.f32 v61, v32;
	v49 =	vadd.f32 v46, v52;
	v50 =	vpop (erf);
	(erf) = vpow2.f32 v41  }
0xa8: {  	v53 =	vld [tilespmem:$0x3B0];
	v52 =	vpop (erf);
	[tilespmem:$0x320] =	vst v45;
	v35 =	vadd.f32 v35, v32;
	v36 =	vadd.f32 v50, v55  }
0xa9: {  	v57 =	vld [tilespmem:$0x3C0];
	v54 =	vpop (erf);
	[tilespmem:$0x330] =	vst v48;
	v55 =	vadd.f32 v49, v32;
	v56 =	vadd.f32 v52, v60  }
0xaa: {  	v61 =	vld [tilespmem:$0x3D0];
	v58 =	vpop (erf);
	[tilespmem:$0x340] =	vst v35;
	v59 =	vadd.f32 v36, v32;
	v60 =	vadd.f32 v54, v63  }
0xab: {  	v46 =	vld [tilespmem:$0x3E0];
	v62 =	vpop (erf);
	[tilespmem:$0x350] =	vst v55;
	v63 =	vadd.f32 v56, v32;
	v45 =	vadd.f32 v58, v47  }
0xac: {  	v50 =	vld [tilespmem:$0x3F0];
	v47 =	vpop (erf);
	[tilespmem:$0x360] =	vst v59;
	v48 =	vadd.f32 v60, v32;
	v49 =	vadd.f32 v62, v51  }
0xad: {  	v51 =	vpop (erf);
	[tilespmem:$0x370] =	vst v63;
	v52 =	vadd.f32 v45, v32;
	v53 =	vadd.f32 v47, v53  }
0xae: {  	v54 =	vpop (erf);
	[tilespmem:$0x380] =	vst v48;
	v55 =	vadd.f32 v49, v32;
	v56 =	vadd.f32 v51, v57  }
0xaf: {  	v57 =	vpop (erf);
	[tilespmem:$0x390] =	vst v52;
	v58 =	vadd.f32 v54, v61;
	v34 =	vadd.f32 v53, v32  }
0xb0: {  	[tilespmem:$0x3A0] =	vst v55;
	v59 =	vadd.f32 v56, v32;
	v60 =	vadd.f32 v57, v46;
	v61 =	vpop (erf)  }
0xb1: {  	[tilespmem:$0x3B0] =	vst v34;
	v62 =	vadd.f32 v61, v50;
	v33 =	vadd.f32 v58, v32  }
0xb2: {  	[tilespmem:$0x3C0] =	vst v59;
	v63 =	vadd.f32 v60, v32  }
0xb3: {  	[tilespmem:$0x3D0] =	vst v33;
	v32 =	vadd.f32 v62, v32  }
0xb4: {  	[tilespmem:$0x3E0] =	vst v63  }
0xb5: {  	[tilespmem:$0x3F0] =	vst v32  }
0xb6: {  	[hbm4b:s4+s10] =	stream.indirect.scatter [tilespmem:s11], [sflag:$0x1], $0x1, s2, s10, $0xb8;
	[tilespmem:$0x680] =	vst v63  }
0xb7: {  	_ = 	snop  }
0xb8: {  	[hbm4b:s4+s10] =	stream.indirect.scatter [tilespmem:s12], [sflag:$0x1], $0x1, s10, s10, $0xb8;
	[tilespmem:$0x680] =	vst v63  }
0xb9: {  	_ = 	snop  }
0xba: {  	[hbm4b:s4+s10] =	stream.indirect.scatter [tilespmem:s14], [sflag:$0x1], $0x1, s13, s10, $0xb8;
	[tilespmem:$0x680] =	vst v63  }
0xbb: {  	_ = 	snop  }
0xbc: {  	[hbm4b:s4+s10] =	stream.indirect.scatter [tilespmem:s16], [sflag:$0x1], $0x1, s15, s10, $0xb8;
	[tilespmem:$0x680] =	vst v63  }
0xbd: {  	_ =	swait.ge [sflag:s17], $0x80  }
0xbe: {  	[sflag:s17] =	ssyncset.done $0x0  }
0xbf: {  	[sflag:s17] =	ssyncadd.s32 $0xFFFFFF80  }
0xc0: {  	_ =	swait.ge [sflag:s17], $0x80  }
0xc1: {  	[sflag:s17] =	ssyncset.done $0x0  }
0xc2: {  	[sflag:s17] =	ssyncadd.s32 $0xFFFFFF80  }
0xc3: {  	p0 =	sne.s32 s6, $0x1;
	_ =	swait.ge [sflag:s17], $0x80  }
.Ltmp0:
0xc4: {  	[sflag:s17] =	ssyncset.done $0x0;
	(pc) =	sbr.rel @p0 .LBB2_1-.Ltmp0, $4  }
0xc5: {  	[sflag:s17] =	ssyncadd.s32 $0xFFFFFF80  }
0xc6: {  	_ =	swait.ge [sflag:s17], $0x80  }
0xc7: {  	[sflag:s17] =	ssyncset.done $0x0  }
0xc8: {  	s6 =	sadd.s32 $0xFFFFFFFF, s6;
	[sflag:s17] =	ssyncadd.s32 $0xFFFFFF80  }
0xc9: {  	_ =	sfence.sel $0x180000  }
0xca: {  	[bflag:$0x0] =	sbarrier.arrive $0xFFFF  }
0xcb: {  	p0 =	sne.s32 s0, $0x0;
	_ =	strace $0x9000004A  }
0xcc: {  	s0 =	sadd.s32 @!p0 $0x100000, s1;
	[bflag:$0x2] =	sbarrier.arrive $0xFFFF  }
0xcd: {  	[sflag:s0] =	ssyncadd.tile.s32 @!p0 $0x1;
	_ =	shalt  }
.Lfunc_end2:
_tile_overlayer_lowered:
.L_overlay_start_2:
0xce: {  	(tag) =	ssettag $0x2  }
0xcf: {  	s0 =	rddreg [dreg:$0x0];
	s2 =	stileid.u32  }
0xd0: {  	s1 =	rddreg [dreg:$0x1];
	p0 =	sne.s32 s2, $0x0  }
0xd1: {  	s3 =	rddreg [dreg:$0x2];
	[bflag:$0x3] =	sbarrier.arrive $0xFFFF;
	s2 =	simm.s32 @!p0 $0x1C02  }
0xd2: {  	[timem:s3], [sflag:s2] =	dma.local @!p0 [hbm:s0], s1  }
0xd3: {  	s0 =	simm.s32 @!p0 $0x2  }
0xd4: {  	_ =	swait.ge @!p0 [sflag:s0], s1  }
0xd5: {  	s1 =	ssub.s32 @!p0 $0x0, s1;
	[sflag:s0] =	ssyncset.done @!p0 $0x0  }
0xd6: {  	[sflag:s0] =	ssyncadd.s32 @!p0 s1  }
0xd7: {  	[bflag:$0x3] =	sbarrier.arrive $0xFFFF  }
0xd8: {  	_ =	shalt  }

// kernel: sparse-core-data-format-call.cloned.1.call-start
scs
called_computation_lowered:
.L_overlay_start_0:
0x0: {  	s2 =	sld [smem:$0x3FD9]  }
0x1: {  	s3 =	sld [smem:$0x3FFE];
	_ =	sdelay $0x1  }
0x2: {  	s1 =	srdreg.scid  }
0x3: {  	s0 =	sand.u32 $0x1, s1  }
0x4: {  	s18 =	sshll.u32 s0, $0xA;
	s2 =	sadd.s32 s3, s2  }
0x5: {  	s2 =	sadd.s32 s2, s18  }
0x6: {  	[smem:$0x3FC5] =	sst s2  }
0x7: {  	_ = 	snop  }
0x8: {  	s2 =	sld [smem:$0x3FC9];
	(tm) =	ssettm $0x1  }
0x9: {  	s19 =	sld [smem:$0x3FFB];
	_ =	sdelay $0x3  }
0xa: {  	_ =	strace s19  }
0xb: {  	s3 =	sld [smem:$0x3FFC];
	_ =	sdelay $0x3  }
0xc: {  	_ =	strace s3  }
0xd: {  	s3 =	sld [smem:$0x3FFD];
	_ =	sdelay $0x3  }
0xe: {  	_ =	strace s3  }
0xf: {  	_ =	strace $0x8FFFFFFF  }
0x10: {  	s20 =	sld [smem:$0x3FDB];
	_ =	sdelay $0x1  }
0x11: {  	s4 =	simm.s32 $_scs_section_size  }
0x12: {  	s5 =	simm.s32 $_size__tile_overlayer_lowered;
	s6 =	simm.s32 $_tile_overlayer_lowered  }
0x13: {  	s23 =	simm.s32 $0x1BFF;
	s22 =	sshll.u32 s6, $0x1;
	s3 =	sadd.s32 s4, s20  }
0x14: {  	s7 =	simm.s32 $0x0;
	s21 =	sshll.u32 s5, $0x1;
	s5 =	sadd.s32 s22, s3  }
0x15: {  	[timem:s7], [sflag:s23] =	dma.local [hbm:s5], s21  }
0x16: {  	_ =	swait.ge [sflag:s23], s21  }
0x17: {  	s4 =	ssub.s32 $0x0, s21;
	[sflag:s23] =	ssyncset.done $0x0  }
0x18: {  	[sflag:s23] =	ssyncadd.s32 s4;
	_ =	sdelay $0x1  }
0x19: {  	s24 =	simm.s32 $0x1B8B  }
0x1a: {  	_ =	swait.ge [sflag:s24], $0x1  }
0x1b: {  	[sflag:s24] =	ssyncset.done $0x0  }
0x1c: {  	s26 =	simm.s32 $0x1B8E;
	s25 =	sld [smem:$0x3FFE];
	[sflag:s24] =	ssyncadd.s32 $0xFFFFFFFF  }
0x1d: {  	s27 =	simm.s32 $execute0_lowered;
	[smem:$0x3FD2] =	sst s26  }
0x1e: {  	s5 =	sshll.u32 s27, $0x1;
	_ =	strace $0x80000046;
	[dreg:$0x1] =	wrdreg $0xFFFFFFFF  }
0x1f: {  	s28 =	simm.s32 $_size_execute0_lowered;
	s3 =	sadd.s32 s3, s5;
	[dreg:$0x0] =	wrdreg $0x0  }
0x20: {  	s5 =	sshll.u32 s28, $0x1;
	[dreg:$0x2] =	wrdreg s3  }
0x21: {  	[dreg:$0x3] =	wrdreg s5  }
0x22: {  	[dreg:$0x4] =	wrdreg $0xC0  }
0x23: {  	_ =	task [dreg:s7], $0x5FFFF  }
0x24: {  	[dreg:$0x1] =	wrdreg $0xFFFFFFFF  }
0x25: {  	[dreg:$0x0] =	wrdreg $0x60  }
0x26: {  	[dreg:$0x2] =	wrdreg s2  }
0x27: {  	[dreg:$0x3] =	wrdreg s25  }
0x28: {  	[dreg:$0x4] =	wrdreg $0x9  }
0x29: {  	_ =	task.clear_ibuf [dreg:s7], $0x5FFFF;
	_ =	strace $0x90000046  }
0x2a: {  	s29 =	simm.s32 $0x9;
	_ =	strace $0x80000048  }
0x2b: {  	_ =	swait.ge [sflag:s29], $0x1  }
0x2c: {  	[sflag:s29] =	ssyncadd.s32 $0xFFFFFFFF  }
0x2d: {  	_ =	strace $0x90000048  }
0x2e: {  	_ =	sfence  }
0x2f: {  	s30 =	sld [smem:$0x0];
	_ =	sdelay $0x2  }
0x30: {  	s31 =	sshll.u32 s1, $0xD;
	s1 =	sshrl.u32 s1, $0x2  }
0x31: {  	s3 =	sand.u32 $0x4000, s31;
	s1 =	sadd.s32 s1, s30  }
0x32: {  	s0 =	sor.u32 s3, s0;
	s1 =	sshll.u32 s1, $0x11  }
0x33: {  	s0 =	sor.u32 s1, s0  }
0x34: {  	s0 =	sadd.s32 $0x8F2B, s0  }
0x35: {  	[sflag:s0] =	ssyncadd.remote.s32 $0x1  }
0x36: {  	_ =	sfence.sel $0xFFFF  }
0x37: {  	[dreg:$0x0] =	wrdreg $0xFFFFFFFF;
	(pc) =	sbr.abs _section_cstart, $3  }
0x38: {  	[dreg:$0x1] =	wrdreg $0xFFFFFFFF  }
0x39: {  	_ =	task.clear_ibuf [dreg:s7], $0x2FFFF;
	_ =	strace $0x9FFFFFFF  }
0x3a: {  	(tm) =	ssettm $0x7FFFFFFF  }
0x3b: {  	_ =	shalt  }
tec
execute0_lowered:
.L_overlay_start_1:
0x0: {  	(tag) =	ssettag $0x1  }
0x1: {  	s2 =	rddreg [dreg:$0x0]  }
0x2: {  	s1 =	rddreg [dreg:$0x1]  }
0x3: {  	s0 =	rddreg [dreg:$0x2];
	_ =	strace $0x80000047;
	s4 =	srdreg.scid  }
.Ltmp0:
0x4: {  	s6 =	simm.s32 $0x2;
	p0 =	por $0x0, $0x0;
	(pc) =	sbr.rel .LBB1_1-.Ltmp0, $4  }
0x5: {  	s9 =	simm.s32 $0x0;
	s3 =	sadd.s32 $0x800, s1;
	s5 =	sshll.u32 s4, $0x4  }
0x6: {  	s1 =	stileid.u32;
	s4 =	simm.s32 $0x1;
	s5 =	sand.u32 $0x10, s5  }
0x7: {  	s7 =	simm.s32 $0x0;
	[sflag:s4] =	ssyncpa.u1 $0x0;
	s5 =	sor.u32 s1, s5  }
0x8: {  	[sflag:s6] =	ssyncpa.u1 $0x0;
	s6 =	simm.s32 $0x0;
	s8 =	smov.u32 s5  }
.LBB1_7:
0x9: {  	s11 =	sadd.s32 $0x20, s8  }
0xa: {  	p1 =	slt.u32 s7, $0x2;
	s7 =	sadd.s32 $0x1, s7;
	p2 =	sgt.s32 s11, $0x7FF  }
0xb: {  	s11 =	smov.u32 @p2 s5;
	p2 =	sne.s32 s7, $0x42  }
.Ltmp1:
0xc: {  	_ = 	snop;
	(pc) =	sbr.rel @!p2 .LBB1_8-.Ltmp1, $4  }
0xd: {  	s10 =	simm.s32 @!p1 $0x2  }
0xe: {  	_ =	swait.ge @!p1 [sflag:s10], $0x4000  }
0xf: {  	s9 =	smov.u32 s8;
	[sflag:s10] =	ssyncset.done @!p1 $0x0  }
0x10: {  	p0 =	por !p0, !p0;
	s8 =	smov.u32 s11;
	[sflag:s10] =	ssyncadd.s32 @!p1 $0xFFFFC000  }
.LBB1_1:
0x11: {  	p1 =	sgt.u32 s7, $0x3F  }
0x12: {  	s10 =	sxor.u32 @!p1 $0xFFFFFFFF, s7  }
0x13: {  	s11 =	sshll.u32 @!p1 s8, $0xB;
	s10 =	sshll.u32 @!p1 s10, $0xE  }
0x14: {  	s12 =	simm.s32 @!p1 $0x0;
	s11 =	sadd.s32 @!p1 s2, s11;
	s10 =	sand.u32 @!p1 $0x4000, s10  }
0x15: {  	[tilespmem:s10], [sflag:$0x1] =	stream.linear.gather @!p1 [hbm4b:s11+s12], $0x4000, $0x38;
	[tilespmem:$0x10000] =	vst v63  }
0x16: {  	p1 =	seq.s32 s7, $0x0  }
0x17: {  	p2 =	seq.s32 @!p1 s7, $0x41  }
0x18: {  	p1 =	por p1, p2  }
.Ltmp2:
0x19: {  	_ = 	snop;
	(pc) =	sbr.rel @p1 .LBB1_7-.Ltmp2, $1  }
0x1a: {  	_ =	sdelay $0x3  }
0x1b: {  	s10 =	simm.s32 $0x1;
	_ =	swait.ge [sflag:s4], $0x4000;
	s12 =	sshll.u32 s7, $0xE  }
0x1c: {  	s13 =	simm.s32 $0x0;
	s10 =	simm.s32 @!p0 $0x0;
	[sflag:s4] =	ssyncset.done $0x0  }
0x1d: {  	s12 =	sand.u32 $0x4000, s12;
	s11 =	sshll.u32 s10, $0xE;
	[sflag:s4] =	ssyncadd.s32 $0xFFFFC000  }
0x1e: {  	s12 =	sor.u32 $0x8000, s12;
	s10 =	sor.u32 $0x8040, s11;
	s11 =	sor.u32 $0x40, s11  }
.LBB1_3:
0x1f: {  	v0 =	vmov s11;
	_ =	sdelay $0x3  }
0x20: {  	s15 =	simm.s32 $0x0  }
0x21: {  	v6 =	vld.idx.msk [tilespmem:v0+s15+$0x30 ss:$0x1], $0xffff  }
0x22: {  	v7 =	vld.idx.msk [tilespmem:v0+s15+$0xFFFFFFC0 ss:$0x1], $0xffff  }
0x23: {  	v5 =	vld.idx.msk [tilespmem:v0+s15+$0xFFFFFFD0 ss:$0x1], $0xffff  }
0x24: {  	v4 =	vld.idx.msk [tilespmem:v0+s15+$0xFFFFFFE0 ss:$0x1], $0xffff  }
0x25: {  	v3 =	vld.idx.msk [tilespmem:v0+s15+$0xFFFFFFF0 ss:$0x1], $0xffff  }
0x26: {  	v1 =	vld.idx.msk [tilespmem:v0+s15+$0x0 ss:$0x1], $0xffff  }
0x27: {  	v2 =	vld.idx.msk [tilespmem:v0+s15+$0x10 ss:$0x1], $0xffff;
	[tilespmem:s10+$0x30] =	vst v6  }
0x28: {  	s14 =	simm.s32 $0x80;
	s16 =	simm.s32 $0x400;
	[tilespmem:s10+$0xFFFFFFC0] =	vst v7;
	v6 =	vld.idx.msk [tilespmem:v0+s15+$0x20 ss:$0x1], $0xffff;
	s15 =	smov.u32 s10  }
.LBB1_4:
0x29: {  	p1 =	sne.s32 s16, $0xE00;
	v7 =	vld.idx.msk [tilespmem:v0+s14+$0x30 ss:$0x1], $0xffff;
	[tilespmem:s15+$0xFFFFFFD0] =	vst v5  }
0x2a: {  	v8 =	vld.idx.msk [tilespmem:v0+s14+$0xFFFFFFC0 ss:$0x1], $0xffff;
	[tilespmem:s15+$0xFFFFFFE0] =	vst v4  }
0x2b: {  	v5 =	vld.idx.msk [tilespmem:v0+s14+$0xFFFFFFD0 ss:$0x1], $0xffff;
	[tilespmem:s15+$0xFFFFFFF0] =	vst v3  }
.Ltmp3:
0x2c: {  	v4 =	vld.idx.msk [tilespmem:v0+s14+$0xFFFFFFE0 ss:$0x1], $0xffff;
	[tilespmem:s15+$0x0] =	vst v1;
	(pc) =	sbr.rel @p1 .LBB1_4-.Ltmp3, $4  }
0x2d: {  	v3 =	vld.idx.msk [tilespmem:v0+s14+$0xFFFFFFF0 ss:$0x1], $0xffff;
	[tilespmem:s15+$0x10] =	vst v2  }
0x2e: {  	v1 =	vld.idx.msk [tilespmem:v0+s14+$0x0 ss:$0x1], $0xffff;
	[tilespmem:s15+$0x20] =	vst v6;
	s15 =	sadd.s32 $0x800, s15  }
0x2f: {  	v2 =	vld.idx.msk [tilespmem:v0+s14+$0x10 ss:$0x1], $0xffff;
	[tilespmem:s15+$0x30] =	vst v7  }
0x30: {  	[tilespmem:s15+$0xFFFFFFC0] =	vst v8;
	v6 =	vld.idx.msk [tilespmem:v0+s14+$0x20 ss:$0x1], $0xffff;
	s14 =	sshra.s32 s16, $0x2;
	s16 =	sadd.s32 $0x200, s16  }
0x31: {  	_ =	sdelay $0x2  }
0x32: {  	[tilespmem:s15+$0xFFFFFFD0] =	vst v5  }
0x33: {  	v56 =	vld.idx.msk [tilespmem:v0+s14+$0x30 ss:$0x1], $0xffff;
	[tilespmem:s15+$0xFFFFFFE0] =	vst v4  }
0x34: {  	v57 =	vld.idx.msk [tilespmem:v0+s14+$0xFFFFFFC0 ss:$0x1], $0xffff;
	[tilespmem:s15+$0xFFFFFFF0] =	vst v3  }
0x35: {  	v58 =	vld.idx.msk [tilespmem:v0+s14+$0xFFFFFFD0 ss:$0x1], $0xffff;
	[tilespmem:s15+$0x0] =	vst v1  }
0x36: {  	v59 =	vld.idx.msk [tilespmem:v0+s14+$0xFFFFFFE0 ss:$0x1], $0xffff;
	[tilespmem:s15+$0x10] =	vst v2  }
0x37: {  	v60 =	vld.idx.msk [tilespmem:v0+s14+$0xFFFFFFF0 ss:$0x1], $0xffff;
	s31 =	sadd.s32 $0x800, s15;
	[tilespmem:s15+$0x20] =	vst v6  }
0x38: {  	v61 =	vld.idx.msk [tilespmem:v0+s14+$0x0 ss:$0x1], $0xffff;
	[tilespmem:s31+$0x30] =	vst v56  }
0x39: {  	v62 =	vld.idx.msk [tilespmem:v0+s14+$0x10 ss:$0x1], $0xffff;
	s13 =	sadd.s32 $0x1, s13;
	[tilespmem:s31+$0xFFFFFFC0] =	vst v57  }
0x3a: {  	v63 =	vld.idx.msk [tilespmem:v0+s14+$0x20 ss:$0x1], $0xffff;
	p1 =	sne.s32 s13, $0x10;
	[tilespmem:s31+$0xFFFFFFD0] =	vst v58  }
.Ltmp4:
0x3b: {  	[tilespmem:s31+$0xFFFFFFE0] =	vst v59;
	(pc) =	sbr.rel @p1 .LBB1_3-.Ltmp4, $4  }
0x3c: {  	[tilespmem:s31+$0xFFFFFFF0] =	vst v60  }
0x3d: {  	[tilespmem:s31+$0x0] =	vst v61  }
0x3e: {  	[tilespmem:s31+$0x10] =	vst v62  }
0x3f: {  	s10 =	sadd.s32 $0x80, s10;
	s11 =	sadd.s32 $0x400, s11;
	[tilespmem:s31+$0x20] =	vst v63  }
.Ltmp5:
0x40: {  	(pc) =	sbr.rel .LBB1_7-.Ltmp5, $4  }
0x41: {  	_ = 	snop  }
0x42: {  	s9 =	sshll.u32 s9, $0xB  }
0x43: {  	s9 =	sadd.s32 s3, s9  }
0x44: {  	[hbm4b:s9+s6] =	stream.linear.scatter [tilespmem:s12], [sflag:$0x2], $0x4000, $0x38;
	[tilespmem:$0x10000] =	vst v63  }
.LBB1_8:
0x45: {  	_ =	sfence.sel $0x180000  }
0x46: {  	s2 =	simm.s32 $0x1;
	[bflag:$0x0] =	sbarrier.arrive $0xFFFF  }
0x47: {  	s31 =	simm.s32 $0x2;
	[sflag:s2] =	ssyncpa.u1 $0x1  }
0x48: {  	[sflag:s31] =	ssyncpa.u1 $0x1  }
0x49: {  	p0 =	sne.s32 s1, $0x0;
	_ =	strace $0x90000047  }
0x4a: {  	s0 =	sadd.s32 @!p0 $0x100000, s0;
	[bflag:$0x2] =	sbarrier.arrive $0xFFFF  }
0x4b: {  	[sflag:s0] =	ssyncadd.tile.s32 @!p0 $0x1;
	_ =	shalt  }
.Lfunc_end1:
_tile_overlayer_lowered:
.L_overlay_start_2:
0x4c: {  	(tag) =	ssettag $0x2  }
0x4d: {  	s0 =	rddreg [dreg:$0x0];
	s2 =	stileid.u32  }
0x4e: {  	s1 =	rddreg [dreg:$0x1];
	p0 =	sne.s32 s2, $0x0  }
0x4f: {  	s3 =	rddreg [dreg:$0x2];
	[bflag:$0x3] =	sbarrier.arrive $0xFFFF;
	s2 =	simm.s32 @!p0 $0x1C01  }
0x50: {  	[timem:s3], [sflag:s2] =	dma.local @!p0 [hbm:s0], s1  }
0x51: {  	s0 =	simm.s32 @!p0 $0x1  }
0x52: {  	_ =	swait.ge @!p0 [sflag:s0], s1  }
0x53: {  	s1 =	ssub.s32 @!p0 $0x0, s1;
	[sflag:s0] =	ssyncset.done @!p0 $0x0  }
0x54: {  	[sflag:s0] =	ssyncadd.s32 @!p0 s1  }
0x55: {  	[bflag:$0x3] =	sbarrier.arrive $0xFFFF  }
0x56: {  	_ =	shalt  }

</sc_bundles>
